<compile_context>
chip_gen: v7x
topology: tpu7x:2x2x1
jax: 0.10.2.dev20260603
libtpu: 0.0.44.dev20260713+nightly
codegen_flags: <defaults>
</compile_context>

<pallas_src>
import functools

import jax
import jax.numpy as jnp
from jax import lax
from jax.experimental import pallas as pl
from jax.experimental.pallas import tpu as pltpu
from jax.experimental.pallas import tpu_sc as plsc

_T = 32000
_TOUT = 8000
_HALF = _TOUT // 2
_B = 16
_L = 16
_NC = 2
_NS = 16
_K = 10

_TEN_LOG2 = 3.0102999566398120
_BIAS = 127.0 * _TEN_LOG2
_C = (4.886358058187659e-08, 1.442686777825966, -0.7211146144033768,
      0.47832354486771805, -0.34599601243320727, 0.23923166297195594,
      -0.13453425419770781, 0.05027750736969067, -0.008874696650988632)


def _edb10_biased(x):
    bits = lax.bitcast_convert_type(x, jnp.int32)
    e = lax.shift_right_logical(bits, 23).astype(jnp.float32)
    m = lax.bitcast_convert_type(
        (bits & jnp.int32(0x007FFFFF)) | jnp.int32(0x3F800000), jnp.float32)
    t = m - 1.0
    t2 = t * t
    t4 = t2 * t2
    lo = (_C[0] + _C[1] * t) + (_C[2] + _C[3] * t) * t2
    hi = (_C[4] + _C[5] * t) + (_C[6] + _C[7] * t) * t2
    p = lo + (hi + _C[8] * t4) * t4
    return (e + p) * _TEN_LOG2


def _edc_worker(h_ref, t_ref, out_ref, buf, en, pb, tv, ptv, ps,
                shared_en, shared_tv):
    c = lax.axis_index("c")
    s = lax.axis_index("s")
    wid = s * _NC + c
    arr = wid // _B
    row = wid % _B

    @pl.when(arr == 0)
    def _():
        pltpu.sync_copy(h_ref.at[row], buf)

    @pl.when(arr == 1)
    def _():
        pltpu.sync_copy(t_ref.at[row], buf)

    accs = tuple(jnp.zeros((_L,), jnp.float32) for _ in range(_K))

    def body1(i, accs):
        base = i * (2 * _K * _L)
        out = []
        for j in range(_K):
            v1 = buf[pl.ds(base + (2 * j) * _L, _L)]
            v2 = buf[pl.ds(base + (2 * j + 1) * _L, _L)]
            out.append(accs[j] + v1 * v1 + v2 * v2)
        return tuple(out)

    def shift_body1(i, accs):
        return body1(i + _TOUT // (2 * _K * _L), accs)

    accs = lax.fori_loop(0, (_T - _TOUT) // (2 * _K * _L), shift_body1, accs)
    acc = accs[0]
    for j in range(1, _K):
        acc = acc + accs[j]
    tail_total = jnp.sum(acc)

    def body2(i, carry):
        base = i * (_K * _L)
        vs = [buf[pl.ds(base + j * _L, _L)] for j in range(_K)]
        pss = [v * v for v in vs]
        css = [plsc.cumsum(p) for p in pss]
        sums = [jnp.full((_L,), jnp.sum(p), jnp.float32) for p in pss]
        off = carry
        for j in range(_K):
            en[pl.ds(base + j * _L, _L)] = off + (css[j] - pss[j])
            off = off + sums[j]
        return off

    head_total = lax.fori_loop(0, _TOUT // (_K * _L), body2,
                               jnp.zeros((_L,), jnp.float32))
    total_v = jnp.full((_L,), tail_total, jnp.float32) + head_total
    tv[...] = total_v

    pltpu.sync_copy(en, shared_en.at[pl.ds(s * _TOUT, _TOUT)])
    pltpu.sync_copy(tv, shared_tv.at[pl.ds(s * _L, _L)])
    plsc.subcore_barrier()

    partner = s ^ 8
    half_off = arr * _HALF
    pltpu.sync_copy(shared_en.at[pl.ds(partner * _TOUT + half_off, _HALF)], pb)
    pltpu.sync_copy(shared_tv.at[pl.ds(partner * _L, _L)], ptv)
    const_v = _edb10_biased(ptv[...]) - _edb10_biased(total_v) - _BIAS

    ptv_v = ptv[...]

    def body3(i, acc):
        base = i * (_K * _L)
        for j in range(_K):
            mine = total_v - en[pl.ds(half_off + base + j * _L, _L)]
            theirs = ptv_v - pb[pl.ds(base + j * _L, _L)]
            ok = (mine > 0) & (theirs > 0)
            y = _edb10_biased(mine / theirs)
            acc = acc + jnp.where(ok, jnp.abs(y + const_v), 0.0)
        return acc

    acc3 = lax.fori_loop(0, _HALF // (_K * _L), body3,
                         jnp.zeros((_L,), jnp.float32))
    zero_v = jnp.zeros((_L,), jnp.float32)
    for i in range(1, 8):
        ps[pl.ds(i * _L, _L)] = zero_v
    ps[pl.ds(0, _L)] = acc3
    pltpu.sync_copy(ps, out_ref.at[wid, 0])


@functools.partial(
    pl.kernel,
    out_type=jax.ShapeDtypeStruct((2 * _B, 1, 128), jnp.float32),
    mesh=plsc.VectorSubcoreMesh(core_axis_name="c", subcore_axis_name="s",
                                num_cores=_NC, num_subcores=_NS),
    compiler_params=pltpu.CompilerParams(needs_layout_passes=False),
    scratch_types=[
        pltpu.VMEM((_T,), jnp.float32),
        pltpu.VMEM((_TOUT,), jnp.float32),
        pltpu.VMEM((_HALF,), jnp.float32),
        pltpu.VMEM((_L,), jnp.float32),
        pltpu.VMEM((_L,), jnp.float32),
        pltpu.VMEM((128,), jnp.float32),
        pltpu.VMEM_SHARED((_NS * _TOUT,), jnp.float32),
        pltpu.VMEM_SHARED((_NS * _L,), jnp.float32),
    ],
)
def _edc_db_sc(h_ref, t_ref, out_ref, buf, en, pb, tv, ptv, ps,
               shared_en, shared_tv):
    _edc_worker(h_ref, t_ref, out_ref, buf, en, pb, tv, ptv, ps,
                shared_en, shared_tv)


def _l1_mean_body(p_ref, o_ref):
    o_ref[0, 0] = jnp.sum(p_ref[...]) * (1.0 / (_B * _TOUT))


def kernel(h, target_h):
    h2 = h.reshape(_B, _T)
    t2 = target_h.reshape(_B, _T)
    partials = _edc_db_sc(h2, t2)
    loss = pl.pallas_call(
        _l1_mean_body,
        out_shape=jax.ShapeDtypeStruct((1, 1), jnp.float32),
        out_specs=pl.BlockSpec(memory_space=pltpu.SMEM),
    )(partials)
    return loss[0, 0]

# --- scband reference (transcript-rebuilt; emitter-appended) ---
"""Pipeline reference for scband-criterion-66554813219062 (READ-ONLY COPY).

The authoritative reference and input builder live on the scoring server;
editing this copy changes nothing except your own understanding.
"""

import jax, jax.numpy as jnp
import numpy as np


def setup_inputs(seed: int = 0) -> dict:
    key = jax.random.key(seed)
    k1, k2 = jax.random.split(key)
    h = jax.random.normal(k1, (16, 1, 32000), dtype=jnp.float32)
    target_h = jax.random.normal(k2, (16, 1, 32000), dtype=jnp.float32)
    return {"h": h, "target_h": target_h}


def _edc_db(x):
    # x: [B, 1, T] -> squeeze channel dim
    x = jnp.squeeze(x, axis=1)
    power = x ** 2
    # reverse cumulative sum (Schroeder backward integration)
    energy = jnp.flip(jnp.cumsum(jnp.flip(power, axis=-1), axis=-1), axis=-1)
    T = energy.shape[-1]
    idx = jnp.arange(T)
    mask = energy > 0
    # last index where energy > 0 (per row); fallback T-1 if none
    i_nz = jnp.max(jnp.where(mask, idx, -1), axis=-1)
    i_nz = jnp.where(jnp.any(mask, axis=-1), i_nz, T - 1)
    lengths = i_nz + 1
    edb = 10.0 * jnp.log10(energy + 1e-10)
    edb = edb - edb[:, :1]
    # pad_sequence semantics: positions past the trimmed length are zero.
    # (with dense random inputs all rows keep full length, so the padded
    # max-length equals T; masking reproduces torch exactly)
    valid = idx[None, :] < lengths[:, None]
    edb = jnp.where(valid, edb, 0.0)
    return edb[:, :8000]


def reference(h, target_h):
    energy_db = _edc_db(h)
    target_energy_db = _edc_db(target_h)
    loss = jnp.mean(jnp.abs(energy_db - target_energy_db))
    return loss

if __name__ == "__main__":
    import jax
    _d = setup_inputs()
    print(jax.jit(kernel)(*tuple(_d.values())))

</pallas_src>

<mosaic_0001>
#map = affine_map<(d0, d1) -> (0, 0)>
#map1 = affine_map<(d0, d1) -> (0, 0, 0)>
module attributes {stable_mosaic.version = 14 : i64} {
  func.func @_edc_db_sc(%arg0: i32, %arg1: i32, %arg2: memref<16x32000xf32, #tpu.memory_space<hbm>>, %arg3: memref<16x32000xf32, #tpu.memory_space<hbm>>, %arg4: memref<32x1x128xf32, #tpu.memory_space<hbm>>, %arg5: memref<32000xf32, #tpu.memory_space<vmem>>, %arg6: memref<8000xf32, #tpu.memory_space<vmem>>, %arg7: memref<4000xf32, #tpu.memory_space<vmem>>, %arg8: memref<16xf32, #tpu.memory_space<vmem>>, %arg9: memref<16xf32, #tpu.memory_space<vmem>>, %arg10: memref<128xf32, #tpu.memory_space<vmem>>, %arg11: memref<128000xf32, #tpu.memory_space<vmem_shared>>, %arg12: memref<256xf32, #tpu.memory_space<vmem_shared>>) attributes {dimension_semantics = [#tpu.dimension_semantics<core_parallel>, #tpu.dimension_semantics<subcore_parallel>], iteration_bounds = array<i64: 2, 16>, scalar_prefetch = 0 : i64, scratch_operands = 8 : i64, tpu.core_type = #tpu.core_type<sc_vector_subcore>, window_params = [{transform_indices = #map}, {transform_indices = #map}, {transform_indices = #map1}]} {
    %mul3A = arith.constant 2 : i32
    %mul3A_0 = arith.muli %arg1, %mul3A : i32
    %add3A = arith.addi %mul3A_0, %arg0 : i32
    %jit3A = arith.constant 16 : i32
    %div3A = arith.divsi %add3A, %jit3A : i32
    %sign3A = arith.constant 0 : i32
    %sign3A_1 = arith.cmpi sgt, %add3A, %sign3A : i32
    %sign3A_2 = arith.extui %sign3A_1 : i1 to i32
    %sign3A_3 = arith.constant 0 : i32
    %sign3A_4 = arith.cmpi slt, %add3A, %sign3A_3 : i32
    %sign3A_5 = arith.extui %sign3A_4 : i1 to i32
    %sign3A_6 = arith.subi %sign3A_2, %sign3A_5 : i32
    %sign3A_7 = arith.constant 0 : i32
    %sign3A_8 = arith.cmpi sgt, %jit3A, %sign3A_7 : i32
    %sign3A_9 = arith.extui %sign3A_8 : i1 to i32
    %sign3A_10 = arith.constant 0 : i32
    %sign3A_11 = arith.cmpi slt, %jit3A, %sign3A_10 : i32
    %sign3A_12 = arith.extui %sign3A_11 : i1 to i32
    %sign3A_13 = arith.subi %sign3A_9, %sign3A_12 : i32
    %ne3A = arith.cmpi ne, %sign3A_6, %sign3A_13 : i32
    %rem3A = arith.remsi %add3A, %jit3A : i32
    %ne3A_14 = arith.constant 0 : i32
    %ne3A_15 = arith.cmpi ne, %rem3A, %ne3A_14 : i32
    %and3A = arith.andi %ne3A, %ne3A_15 : i1
    %sub3A = arith.constant 1 : i32
    %sub3A_16 = arith.subi %div3A, %sub3A : i32
    %select_n3A = arith.select %and3A, %sub3A_16, %div3A : i32
    %jit3A_17 = arith.constant 16 : i32
    %eq3A = arith.constant 0 : i32
    %eq3A_18 = arith.cmpi eq, %jit3A_17, %eq3A : i32
    %jit3A_19 = arith.constant 1 : i32
    %select_n3A_20 = arith.select %eq3A_18, %jit3A_19, %jit3A_17 : i32
    %rem3A_21 = arith.remsi %add3A, %select_n3A_20 : i32
    %ne3A_22 = arith.constant 0 : i32
    %ne3A_23 = arith.cmpi ne, %rem3A_21, %ne3A_22 : i32
    %lt3A = arith.constant 0 : i32
    %lt3A_24 = arith.cmpi slt, %rem3A_21, %lt3A : i32
    %lt3A_25 = arith.constant 0 : i32
    %lt3A_26 = arith.cmpi slt, %select_n3A_20, %lt3A_25 : i32
    %ne3A_27 = arith.xori %lt3A_24, %lt3A_26 : i1
    %and3A_28 = arith.andi %ne3A_27, %ne3A_23 : i1
    %add3A_29 = arith.addi %rem3A_21, %select_n3A_20 : i32
    %select_n3A_30 = arith.select %and3A_28, %add3A_29, %rem3A_21 : i32
    %eq3A_31 = arith.constant 0 : i32
    %eq3A_32 = arith.cmpi eq, %select_n3A, %eq3A_31 : i32
    %convert_element_type3A = arith.extui %eq3A_32 : i1 to i32
    %cond3A = arith.constant 0 : i32
    %cond3A_33 = arith.cmpi ne, %convert_element_type3A, %cond3A : i32
    scf.if %cond3A_33 {
      "tpu.region"() ({
        %run_scoped3A_238 = tpu.sem_alloc : memref<!tpu.dma_semaphore, #tpu.memory_space<semaphore_mem>>
        %dma_start3A = arith.constant 0 : i32
        %dma_start3A_239 = tpu.memref_slice %arg2[%select_n3A_30, %dma_start3A] : memref<16x32000xf32, #tpu.memory_space<hbm>> -> memref<1x32000xf32, #tpu.memory_space<hbm>>
        %dma_start3A_240 = tpu.memref_squeeze %dma_start3A_239 : memref<1x32000xf32, #tpu.memory_space<hbm>> -> memref<32000xf32, #tpu.memory_space<hbm>>
        %dma_start3A_241 = arith.constant 0 : i32
        %dma_start3A_242 = tpu.memref_slice %arg2[%select_n3A_30, %dma_start3A_241] : memref<16x32000xf32, #tpu.memory_space<hbm>> -> memref<1x32000xf32, #tpu.memory_space<hbm>>
        %dma_start3A_243 = tpu.memref_squeeze %dma_start3A_242 : memref<1x32000xf32, #tpu.memory_space<hbm>> -> memref<32000xf32, #tpu.memory_space<hbm>>
        tpu.enqueue_dma source(%dma_start3A_243 : memref<32000xf32, #tpu.memory_space<hbm>>) target(%arg5 : memref<32000xf32, #tpu.memory_space<vmem>>) target_semaphore(%run_scoped3A_238 : memref<!tpu.dma_semaphore, #tpu.memory_space<semaphore_mem>>)
        %dma_wait3A = arith.constant 0 : i32
        %dma_wait3A_244 = tpu.memref_slice %arg2[%select_n3A_30, %dma_wait3A] : memref<16x32000xf32, #tpu.memory_space<hbm>> -> memref<1x32000xf32, #tpu.memory_space<hbm>>
        %dma_wait3A_245 = tpu.memref_squeeze %dma_wait3A_244 : memref<1x32000xf32, #tpu.memory_space<hbm>> -> memref<32000xf32, #tpu.memory_space<hbm>>
        %dma_wait3A_246 = arith.constant 0 : i32
        %dma_wait3A_247 = tpu.memref_slice %arg2[%select_n3A_30, %dma_wait3A_246] : memref<16x32000xf32, #tpu.memory_space<hbm>> -> memref<1x32000xf32, #tpu.memory_space<hbm>>
        %dma_wait3A_248 = tpu.memref_squeeze %dma_wait3A_247 : memref<1x32000xf32, #tpu.memory_space<hbm>> -> memref<32000xf32, #tpu.memory_space<hbm>>
        tpu.wait_dma2 semaphore(%run_scoped3A_238 : memref<!tpu.dma_semaphore, #tpu.memory_space<semaphore_mem>>) src(%dma_wait3A_248 : memref<32000xf32, #tpu.memory_space<hbm>>) dst(%arg5 : memref<32000xf32, #tpu.memory_space<vmem>>)
        tpu.yield
      }) : () -> ()
    } else {
    }
    %eq3A_34 = arith.constant 1 : i32
    %eq3A_35 = arith.cmpi eq, %select_n3A, %eq3A_34 : i32
    %convert_element_type3A_36 = arith.extui %eq3A_35 : i1 to i32
    %cond3A_37 = arith.constant 0 : i32
    %cond3A_38 = arith.cmpi ne, %convert_element_type3A_36, %cond3A_37 : i32
    scf.if %cond3A_38 {
      "tpu.region"() ({
        %run_scoped3A_238 = tpu.sem_alloc : memref<!tpu.dma_semaphore, #tpu.memory_space<semaphore_mem>>
        %dma_start3A = arith.constant 0 : i32
        %dma_start3A_239 = tpu.memref_slice %arg3[%select_n3A_30, %dma_start3A] : memref<16x32000xf32, #tpu.memory_space<hbm>> -> memref<1x32000xf32, #tpu.memory_space<hbm>>
        %dma_start3A_240 = tpu.memref_squeeze %dma_start3A_239 : memref<1x32000xf32, #tpu.memory_space<hbm>> -> memref<32000xf32, #tpu.memory_space<hbm>>
        %dma_start3A_241 = arith.constant 0 : i32
        %dma_start3A_242 = tpu.memref_slice %arg3[%select_n3A_30, %dma_start3A_241] : memref<16x32000xf32, #tpu.memory_space<hbm>> -> memref<1x32000xf32, #tpu.memory_space<hbm>>
        %dma_start3A_243 = tpu.memref_squeeze %dma_start3A_242 : memref<1x32000xf32, #tpu.memory_space<hbm>> -> memref<32000xf32, #tpu.memory_space<hbm>>
        tpu.enqueue_dma source(%dma_start3A_243 : memref<32000xf32, #tpu.memory_space<hbm>>) target(%arg5 : memref<32000xf32, #tpu.memory_space<vmem>>) target_semaphore(%run_scoped3A_238 : memref<!tpu.dma_semaphore, #tpu.memory_space<semaphore_mem>>)
        %dma_wait3A = arith.constant 0 : i32
        %dma_wait3A_244 = tpu.memref_slice %arg3[%select_n3A_30, %dma_wait3A] : memref<16x32000xf32, #tpu.memory_space<hbm>> -> memref<1x32000xf32, #tpu.memory_space<hbm>>
        %dma_wait3A_245 = tpu.memref_squeeze %dma_wait3A_244 : memref<1x32000xf32, #tpu.memory_space<hbm>> -> memref<32000xf32, #tpu.memory_space<hbm>>
        %dma_wait3A_246 = arith.constant 0 : i32
        %dma_wait3A_247 = tpu.memref_slice %arg3[%select_n3A_30, %dma_wait3A_246] : memref<16x32000xf32, #tpu.memory_space<hbm>> -> memref<1x32000xf32, #tpu.memory_space<hbm>>
        %dma_wait3A_248 = tpu.memref_squeeze %dma_wait3A_247 : memref<1x32000xf32, #tpu.memory_space<hbm>> -> memref<32000xf32, #tpu.memory_space<hbm>>
        tpu.wait_dma2 semaphore(%run_scoped3A_238 : memref<!tpu.dma_semaphore, #tpu.memory_space<semaphore_mem>>) src(%dma_wait3A_248 : memref<32000xf32, #tpu.memory_space<hbm>>) dst(%arg5 : memref<32000xf32, #tpu.memory_space<vmem>>)
        tpu.yield
      }) : () -> ()
    } else {
    }
    %broadcast_in_dim3A = arith.constant 0.000000e+00 : f32
    %broadcast_in_dim3A_39 = vector.broadcast %broadcast_in_dim3A : f32 to vector<16xf32>
    %broadcast_in_dim3A_40 = arith.constant 0.000000e+00 : f32
    %broadcast_in_dim3A_41 = vector.broadcast %broadcast_in_dim3A_40 : f32 to vector<16xf32>
    %broadcast_in_dim3A_42 = arith.constant 0.000000e+00 : f32
    %broadcast_in_dim3A_43 = vector.broadcast %broadcast_in_dim3A_42 : f32 to vector<16xf32>
    %broadcast_in_dim3A_44 = arith.constant 0.000000e+00 : f32
    %broadcast_in_dim3A_45 = vector.broadcast %broadcast_in_dim3A_44 : f32 to vector<16xf32>
    %broadcast_in_dim3A_46 = arith.constant 0.000000e+00 : f32
    %broadcast_in_dim3A_47 = vector.broadcast %broadcast_in_dim3A_46 : f32 to vector<16xf32>
    %broadcast_in_dim3A_48 = arith.constant 0.000000e+00 : f32
    %broadcast_in_dim3A_49 = vector.broadcast %broadcast_in_dim3A_48 : f32 to vector<16xf32>
    %broadcast_in_dim3A_50 = arith.constant 0.000000e+00 : f32
    %broadcast_in_dim3A_51 = vector.broadcast %broadcast_in_dim3A_50 : f32 to vector<16xf32>
    %broadcast_in_dim3A_52 = arith.constant 0.000000e+00 : f32
    %broadcast_in_dim3A_53 = vector.broadcast %broadcast_in_dim3A_52 : f32 to vector<16xf32>
    %broadcast_in_dim3A_54 = arith.constant 0.000000e+00 : f32
    %broadcast_in_dim3A_55 = vector.broadcast %broadcast_in_dim3A_54 : f32 to vector<16xf32>
    %broadcast_in_dim3A_56 = arith.constant 0.000000e+00 : f32
    %broadcast_in_dim3A_57 = vector.broadcast %broadcast_in_dim3A_56 : f32 to vector<16xf32>
    %scan3A = arith.constant 0 : i32
    %scan3A_58 = arith.constant 75 : i32
    %scan3A_59 = arith.addi %scan3A, %scan3A_58 : i32
    %scan3A_60 = arith.constant 1 : i32
    %scan3A_61:10 = scf.for %scan3A_238 = %scan3A to %scan3A_59 step %scan3A_60 iter_args(%scan3A_239 = %broadcast_in_dim3A_39, %scan3A_240 = %broadcast_in_dim3A_41, %scan3A_241 = %broadcast_in_dim3A_43, %scan3A_242 = %broadcast_in_dim3A_45, %scan3A_243 = %broadcast_in_dim3A_47, %scan3A_244 = %broadcast_in_dim3A_49, %scan3A_245 = %broadcast_in_dim3A_51, %scan3A_246 = %broadcast_in_dim3A_53, %scan3A_247 = %broadcast_in_dim3A_55, %scan3A_248 = %broadcast_in_dim3A_57) -> (vector<16xf32>, vector<16xf32>, vector<16xf32>, vector<16xf32>, vector<16xf32>, vector<16xf32>, vector<16xf32>, vector<16xf32>, vector<16xf32>, vector<16xf32>)  : i32 {
      %add3A_249 = arith.constant 25 : i32
      %add3A_250 = arith.addi %scan3A_238, %add3A_249 : i32
      %mul3A_251 = arith.constant 320 : i32
      %mul3A_252 = arith.muli %add3A_250, %mul3A_251 : i32
      %add3A_253 = arith.constant 0 : i32
      %add3A_254 = arith.addi %mul3A_252, %add3A_253 : i32
      %get3A_255 = arith.index_cast %add3A_254 : i32 to index
      %get3A_256 = tpu.vector_load %arg5[%get3A_255] {strides = array<i32>} : memref<32000xf32, #tpu.memory_space<vmem>>, vector<16xf32>,
      %add3A_257 = arith.constant 16 : i32
      %add3A_258 = arith.addi %mul3A_252, %add3A_257 : i32
      %get3A_259 = arith.index_cast %add3A_258 : i32 to index
      %get3A_260 = tpu.vector_load %arg5[%get3A_259] {strides = array<i32>} : memref<32000xf32, #tpu.memory_space<vmem>>, vector<16xf32>,
      %mul3A_261 = arith.mulf %get3A_256, %get3A_256 : vector<16xf32>
      %add3A_262 = arith.addf %scan3A_239, %mul3A_261 : vector<16xf32>
      %mul3A_263 = arith.mulf %get3A_260, %get3A_260 : vector<16xf32>
      %add3A_264 = arith.addf %add3A_262, %mul3A_263 : vector<16xf32>
      %add3A_265 = arith.constant 32 : i32
      %add3A_266 = arith.addi %mul3A_252, %add3A_265 : i32
      %get3A_267 = arith.index_cast %add3A_266 : i32 to index
      %get3A_268 = tpu.vector_load %arg5[%get3A_267] {strides = array<i32>} : memref<32000xf32, #tpu.memory_space<vmem>>, vector<16xf32>,
      %add3A_269 = arith.constant 48 : i32
      %add3A_270 = arith.addi %mul3A_252, %add3A_269 : i32
      %get3A_271 = arith.index_cast %add3A_270 : i32 to index
      %get3A_272 = tpu.vector_load %arg5[%get3A_271] {strides = array<i32>} : memref<32000xf32, #tpu.memory_space<vmem>>, vector<16xf32>,
      %mul3A_273 = arith.mulf %get3A_268, %get3A_268 : vector<16xf32>
      %add3A_274 = arith.addf %scan3A_240, %mul3A_273 : vector<16xf32>
      %mul3A_275 = arith.mulf %get3A_272, %get3A_272 : vector<16xf32>
      %add3A_276 = arith.addf %add3A_274, %mul3A_275 : vector<16xf32>
      %add3A_277 = arith.constant 64 : i32
      %add3A_278 = arith.addi %mul3A_252, %add3A_277 : i32
      %get3A_279 = arith.index_cast %add3A_278 : i32 to index
      %get3A_280 = tpu.vector_load %arg5[%get3A_279] {strides = array<i32>} : memref<32000xf32, #tpu.memory_space<vmem>>, vector<16xf32>,
      %add3A_281 = arith.constant 80 : i32
      %add3A_282 = arith.addi %mul3A_252, %add3A_281 : i32
      %get3A_283 = arith.index_cast %add3A_282 : i32 to index
      %get3A_284 = tpu.vector_load %arg5[%get3A_283] {strides = array<i32>} : memref<32000xf32, #tpu.memory_space<vmem>>, vector<16xf32>,
      %mul3A_285 = arith.mulf %get3A_280, %get3A_280 : vector<16xf32>
      %add3A_286 = arith.addf %scan3A_241, %mul3A_285 : vector<16xf32>
      %mul3A_287 = arith.mulf %get3A_284, %get3A_284 : vector<16xf32>
      %add3A_288 = arith.addf %add3A_286, %mul3A_287 : vector<16xf32>
      %add3A_289 = arith.constant 96 : i32
      %add3A_290 = arith.addi %mul3A_252, %add3A_289 : i32
      %get3A_291 = arith.index_cast %add3A_290 : i32 to index
      %get3A_292 = tpu.vector_load %arg5[%get3A_291] {strides = array<i32>} : memref<32000xf32, #tpu.memory_space<vmem>>, vector<16xf32>,
      %add3A_293 = arith.constant 112 : i32
      %add3A_294 = arith.addi %mul3A_252, %add3A_293 : i32
      %get3A_295 = arith.index_cast %add3A_294 : i32 to index
      %get3A_296 = tpu.vector_load %arg5[%get3A_295] {strides = array<i32>} : memref<32000xf32, #tpu.memory_space<vmem>>, vector<16xf32>,
      %mul3A_297 = arith.mulf %get3A_292, %get3A_292 : vector<16xf32>
      %add3A_298 = arith.addf %scan3A_242, %mul3A_297 : vector<16xf32>
      %mul3A_299 = arith.mulf %get3A_296, %get3A_296 : vector<16xf32>
      %add3A_300 = arith.addf %add3A_298, %mul3A_299 : vector<16xf32>
      %add3A_301 = arith.constant 128 : i32
      %add3A_302 = arith.addi %mul3A_252, %add3A_301 : i32
      %get3A_303 = arith.index_cast %add3A_302 : i32 to index
      %get3A_304 = tpu.vector_load %arg5[%get3A_303] {strides = array<i32>} : memref<32000xf32, #tpu.memory_space<vmem>>, vector<16xf32>,
      %add3A_305 = arith.constant 144 : i32
      %add3A_306 = arith.addi %mul3A_252, %add3A_305 : i32
      %get3A_307 = arith.index_cast %add3A_306 : i32 to index
      %get3A_308 = tpu.vector_load %arg5[%get3A_307] {strides = array<i32>} : memref<32000xf32, #tpu.memory_space<vmem>>, vector<16xf32>,
      %mul3A_309 = arith.mulf %get3A_304, %get3A_304 : vector<16xf32>
      %add3A_310 = arith.addf %scan3A_243, %mul3A_309 : vector<16xf32>
      %mul3A_311 = arith.mulf %get3A_308, %get3A_308 : vector<16xf32>
      %add3A_312 = arith.addf %add3A_310, %mul3A_311 : vector<16xf32>
      %add3A_313 = arith.constant 160 : i32
      %add3A_314 = arith.addi %mul3A_252, %add3A_313 : i32
      %get3A_315 = arith.index_cast %add3A_314 : i32 to index
      %get3A_316 = tpu.vector_load %arg5[%get3A_315] {strides = array<i32>} : memref<32000xf32, #tpu.memory_space<vmem>>, vector<16xf32>,
      %add3A_317 = arith.constant 176 : i32
      %add3A_318 = arith.addi %mul3A_252, %add3A_317 : i32
      %get3A_319 = arith.index_cast %add3A_318 : i32 to index
      %get3A_320 = tpu.vector_load %arg5[%get3A_319] {strides = array<i32>} : memref<32000xf32, #tpu.memory_space<vmem>>, vector<16xf32>,
      %mul3A_321 = arith.mulf %get3A_316, %get3A_316 : vector<16xf32>
      %add3A_322 = arith.addf %scan3A_244, %mul3A_321 : vector<16xf32>
      %mul3A_323 = arith.mulf %get3A_320, %get3A_320 : vector<16xf32>
      %add3A_324 = arith.addf %add3A_322, %mul3A_323 : vector<16xf32>
      %add3A_325 = arith.constant 192 : i32
      %add3A_326 = arith.addi %mul3A_252, %add3A_325 : i32
      %get3A_327 = arith.index_cast %add3A_326 : i32 to index
      %get3A_328 = tpu.vector_load %arg5[%get3A_327] {strides = array<i32>} : memref<32000xf32, #tpu.memory_space<vmem>>, vector<16xf32>,
      %add3A_329 = arith.constant 208 : i32
      %add3A_330 = arith.addi %mul3A_252, %add3A_329 : i32
      %get3A_331 = arith.index_cast %add3A_330 : i32 to index
      %get3A_332 = tpu.vector_load %arg5[%get3A_331] {strides = array<i32>} : memref<32000xf32, #tpu.memory_space<vmem>>, vector<16xf32>,
      %mul3A_333 = arith.mulf %get3A_328, %get3A_328 : vector<16xf32>
      %add3A_334 = arith.addf %scan3A_245, %mul3A_333 : vector<16xf32>
      %mul3A_335 = arith.mulf %get3A_332, %get3A_332 : vector<16xf32>
      %add3A_336 = arith.addf %add3A_334, %mul3A_335 : vector<16xf32>
      %add3A_337 = arith.constant 224 : i32
      %add3A_338 = arith.addi %mul3A_252, %add3A_337 : i32
      %get3A_339 = arith.index_cast %add3A_338 : i32 to index
      %get3A_340 = tpu.vector_load %arg5[%get3A_339] {strides = array<i32>} : memref<32000xf32, #tpu.memory_space<vmem>>, vector<16xf32>,
      %add3A_341 = arith.constant 240 : i32
      %add3A_342 = arith.addi %mul3A_252, %add3A_341 : i32
      %get3A_343 = arith.index_cast %add3A_342 : i32 to index
      %get3A_344 = tpu.vector_load %arg5[%get3A_343] {strides = array<i32>} : memref<32000xf32, #tpu.memory_space<vmem>>, vector<16xf32>,
      %mul3A_345 = arith.mulf %get3A_340, %get3A_340 : vector<16xf32>
      %add3A_346 = arith.addf %scan3A_246, %mul3A_345 : vector<16xf32>
      %mul3A_347 = arith.mulf %get3A_344, %get3A_344 : vector<16xf32>
      %add3A_348 = arith.addf %add3A_346, %mul3A_347 : vector<16xf32>
      %add3A_349 = arith.constant 256 : i32
      %add3A_350 = arith.addi %mul3A_252, %add3A_349 : i32
      %get3A_351 = arith.index_cast %add3A_350 : i32 to index
      %get3A_352 = tpu.vector_load %arg5[%get3A_351] {strides = array<i32>} : memref<32000xf32, #tpu.memory_space<vmem>>, vector<16xf32>,
      %add3A_353 = arith.constant 272 : i32
      %add3A_354 = arith.addi %mul3A_252, %add3A_353 : i32
      %get3A_355 = arith.index_cast %add3A_354 : i32 to index
      %get3A_356 = tpu.vector_load %arg5[%get3A_355] {strides = array<i32>} : memref<32000xf32, #tpu.memory_space<vmem>>, vector<16xf32>,
      %mul3A_357 = arith.mulf %get3A_352, %get3A_352 : vector<16xf32>
      %add3A_358 = arith.addf %scan3A_247, %mul3A_357 : vector<16xf32>
      %mul3A_359 = arith.mulf %get3A_356, %get3A_356 : vector<16xf32>
      %add3A_360 = arith.addf %add3A_358, %mul3A_359 : vector<16xf32>
      %add3A_361 = arith.constant 288 : i32
      %add3A_362 = arith.addi %mul3A_252, %add3A_361 : i32
      %get3A_363 = arith.index_cast %add3A_362 : i32 to index
      %get3A_364 = tpu.vector_load %arg5[%get3A_363] {strides = array<i32>} : memref<32000xf32, #tpu.memory_space<vmem>>, vector<16xf32>,
      %add3A_365 = arith.constant 304 : i32
      %add3A_366 = arith.addi %mul3A_252, %add3A_365 : i32
      %get3A_367 = arith.index_cast %add3A_366 : i32 to index
      %get3A_368 = tpu.vector_load %arg5[%get3A_367] {strides = array<i32>} : memref<32000xf32, #tpu.memory_space<vmem>>, vector<16xf32>,
      %mul3A_369 = arith.mulf %get3A_364, %get3A_364 : vector<16xf32>
      %add3A_370 = arith.addf %scan3A_248, %mul3A_369 : vector<16xf32>
      %mul3A_371 = arith.mulf %get3A_368, %get3A_368 : vector<16xf32>
      %add3A_372 = arith.addf %add3A_370, %mul3A_371 : vector<16xf32>
      scf.yield %add3A_264, %add3A_276, %add3A_288, %add3A_300, %add3A_312, %add3A_324, %add3A_336, %add3A_348, %add3A_360, %add3A_372 : vector<16xf32>, vector<16xf32>, vector<16xf32>, vector<16xf32>, vector<16xf32>, vector<16xf32>, vector<16xf32>, vector<16xf32>, vector<16xf32>, vector<16xf32>
    }
    %scan3A_62 = arith.constant 75 : i32
    %add3A_63 = arith.addf %scan3A_61#0, %scan3A_61#1 : vector<16xf32>
    %add3A_64 = arith.addf %add3A_63, %scan3A_61#2 : vector<16xf32>
    %add3A_65 = arith.addf %add3A_64, %scan3A_61#3 : vector<16xf32>
    %add3A_66 = arith.addf %add3A_65, %scan3A_61#4 : vector<16xf32>
    %add3A_67 = arith.addf %add3A_66, %scan3A_61#5 : vector<16xf32>
    %add3A_68 = arith.addf %add3A_67, %scan3A_61#6 : vector<16xf32>
    %add3A_69 = arith.addf %add3A_68, %scan3A_61#7 : vector<16xf32>
    %add3A_70 = arith.addf %add3A_69, %scan3A_61#8 : vector<16xf32>
    %add3A_71 = arith.addf %add3A_70, %scan3A_61#9 : vector<16xf32>
    %reduce_sum3A = arith.constant true
    %reduce_sum3A_72 = vector.broadcast %reduce_sum3A : i1 to vector<16xi1>
    %reduce_sum3A_73 = tpu.scan <sum>, %add3A_71 masked %reduce_sum3A_72 : vector<16xf32>, vector<16xi1> -> vector<16xf32>
    %reduce_sum3A_74 = vector.extract %reduce_sum3A_73[15] : f32 from vector<16xf32>
    %broadcast_in_dim3A_75 = arith.constant 0.000000e+00 : f32
    %broadcast_in_dim3A_76 = vector.broadcast %broadcast_in_dim3A_75 : f32 to vector<16xf32>
    %scan3A_77 = arith.constant 0 : i32
    %scan3A_78 = arith.constant 50 : i32
    %scan3A_79 = arith.addi %scan3A_77, %scan3A_78 : i32
    %scan3A_80 = arith.constant 1 : i32
    %scan3A_81 = scf.for %scan3A_238 = %scan3A_77 to %scan3A_79 step %scan3A_80 iter_args(%scan3A_239 = %broadcast_in_dim3A_76) -> (vector<16xf32>)  : i32 {
      %mul3A_240 = arith.constant 160 : i32
      %mul3A_241 = arith.muli %scan3A_238, %mul3A_240 : i32
      %add3A_242 = arith.constant 0 : i32
      %add3A_243 = arith.addi %mul3A_241, %add3A_242 : i32
      %get3A_244 = arith.index_cast %add3A_243 : i32 to index
      %get3A_245 = tpu.vector_load %arg5[%get3A_244] {strides = array<i32>} : memref<32000xf32, #tpu.memory_space<vmem>>, vector<16xf32>,
      %add3A_246 = arith.constant 16 : i32
      %add3A_247 = arith.addi %mul3A_241, %add3A_246 : i32
      %get3A_248 = arith.index_cast %add3A_247 : i32 to index
      %get3A_249 = tpu.vector_load %arg5[%get3A_248] {strides = array<i32>} : memref<32000xf32, #tpu.memory_space<vmem>>, vector<16xf32>,
      %add3A_250 = arith.constant 32 : i32
      %add3A_251 = arith.addi %mul3A_241, %add3A_250 : i32
      %get3A_252 = arith.index_cast %add3A_251 : i32 to index
      %get3A_253 = tpu.vector_load %arg5[%get3A_252] {strides = array<i32>} : memref<32000xf32, #tpu.memory_space<vmem>>, vector<16xf32>,
      %add3A_254 = arith.constant 48 : i32
      %add3A_255 = arith.addi %mul3A_241, %add3A_254 : i32
      %get3A_256 = arith.index_cast %add3A_255 : i32 to index
      %get3A_257 = tpu.vector_load %arg5[%get3A_256] {strides = array<i32>} : memref<32000xf32, #tpu.memory_space<vmem>>, vector<16xf32>,
      %add3A_258 = arith.constant 64 : i32
      %add3A_259 = arith.addi %mul3A_241, %add3A_258 : i32
      %get3A_260 = arith.index_cast %add3A_259 : i32 to index
      %get3A_261 = tpu.vector_load %arg5[%get3A_260] {strides = array<i32>} : memref<32000xf32, #tpu.memory_space<vmem>>, vector<16xf32>,
      %add3A_262 = arith.constant 80 : i32
      %add3A_263 = arith.addi %mul3A_241, %add3A_262 : i32
      %get3A_264 = arith.index_cast %add3A_263 : i32 to index
      %get3A_265 = tpu.vector_load %arg5[%get3A_264] {strides = array<i32>} : memref<32000xf32, #tpu.memory_space<vmem>>, vector<16xf32>,
      %add3A_266 = arith.constant 96 : i32
      %add3A_267 = arith.addi %mul3A_241, %add3A_266 : i32
      %get3A_268 = arith.index_cast %add3A_267 : i32 to index
      %get3A_269 = tpu.vector_load %arg5[%get3A_268] {strides = array<i32>} : memref<32000xf32, #tpu.memory_space<vmem>>, vector<16xf32>,
      %add3A_270 = arith.constant 112 : i32
      %add3A_271 = arith.addi %mul3A_241, %add3A_270 : i32
      %get3A_272 = arith.index_cast %add3A_271 : i32 to index
      %get3A_273 = tpu.vector_load %arg5[%get3A_272] {strides = array<i32>} : memref<32000xf32, #tpu.memory_space<vmem>>, vector<16xf32>,
      %add3A_274 = arith.constant 128 : i32
      %add3A_275 = arith.addi %mul3A_241, %add3A_274 : i32
      %get3A_276 = arith.index_cast %add3A_275 : i32 to index
      %get3A_277 = tpu.vector_load %arg5[%get3A_276] {strides = array<i32>} : memref<32000xf32, #tpu.memory_space<vmem>>, vector<16xf32>,
      %add3A_278 = arith.constant 144 : i32
      %add3A_279 = arith.addi %mul3A_241, %add3A_278 : i32
      %get3A_280 = arith.index_cast %add3A_279 : i32 to index
      %get3A_281 = tpu.vector_load %arg5[%get3A_280] {strides = array<i32>} : memref<32000xf32, #tpu.memory_space<vmem>>, vector<16xf32>,
      %mul3A_282 = arith.mulf %get3A_245, %get3A_245 : vector<16xf32>
      %mul3A_283 = arith.mulf %get3A_249, %get3A_249 : vector<16xf32>
      %mul3A_284 = arith.mulf %get3A_253, %get3A_253 : vector<16xf32>
      %mul3A_285 = arith.mulf %get3A_257, %get3A_257 : vector<16xf32>
      %mul3A_286 = arith.mulf %get3A_261, %get3A_261 : vector<16xf32>
      %mul3A_287 = arith.mulf %get3A_265, %get3A_265 : vector<16xf32>
      %mul3A_288 = arith.mulf %get3A_269, %get3A_269 : vector<16xf32>
      %mul3A_289 = arith.mulf %get3A_273, %get3A_273 : vector<16xf32>
      %mul3A_290 = arith.mulf %get3A_277, %get3A_277 : vector<16xf32>
      %mul3A_291 = arith.mulf %get3A_281, %get3A_281 : vector<16xf32>
      %broadcast_in_dim3A_292 = arith.constant true
      %broadcast_in_dim3A_293 = vector.broadcast %broadcast_in_dim3A_292 : i1 to vector<16xi1>
      %masked_cumsum3A = tpu.scan <sum>, %mul3A_282 masked %broadcast_in_dim3A_293 : vector<16xf32>, vector<16xi1> -> vector<16xf32>
      %broadcast_in_dim3A_294 = arith.constant true
      %broadcast_in_dim3A_295 = vector.broadcast %broadcast_in_dim3A_294 : i1 to vector<16xi1>
      %masked_cumsum3A_296 = tpu.scan <sum>, %mul3A_283 masked %broadcast_in_dim3A_295 : vector<16xf32>, vector<16xi1> -> vector<16xf32>
      %broadcast_in_dim3A_297 = arith.constant true
      %broadcast_in_dim3A_298 = vector.broadcast %broadcast_in_dim3A_297 : i1 to vector<16xi1>
      %masked_cumsum3A_299 = tpu.scan <sum>, %mul3A_284 masked %broadcast_in_dim3A_298 : vector<16xf32>, vector<16xi1> -> vector<16xf32>
      %broadcast_in_dim3A_300 = arith.constant true
      %broadcast_in_dim3A_301 = vector.broadcast %broadcast_in_dim3A_300 : i1 to vector<16xi1>
      %masked_cumsum3A_302 = tpu.scan <sum>, %mul3A_285 masked %broadcast_in_dim3A_301 : vector<16xf32>, vector<16xi1> -> vector<16xf32>
      %broadcast_in_dim3A_303 = arith.constant true
      %broadcast_in_dim3A_304 = vector.broadcast %broadcast_in_dim3A_303 : i1 to vector<16xi1>
      %masked_cumsum3A_305 = tpu.scan <sum>, %mul3A_286 masked %broadcast_in_dim3A_304 : vector<16xf32>, vector<16xi1> -> vector<16xf32>
      %broadcast_in_dim3A_306 = arith.constant true
      %broadcast_in_dim3A_307 = vector.broadcast %broadcast_in_dim3A_306 : i1 to vector<16xi1>
      %masked_cumsum3A_308 = tpu.scan <sum>, %mul3A_287 masked %broadcast_in_dim3A_307 : vector<16xf32>, vector<16xi1> -> vector<16xf32>
      %broadcast_in_dim3A_309 = arith.constant true
      %broadcast_in_dim3A_310 = vector.broadcast %broadcast_in_dim3A_309 : i1 to vector<16xi1>
      %masked_cumsum3A_311 = tpu.scan <sum>, %mul3A_288 masked %broadcast_in_dim3A_310 : vector<16xf32>, vector<16xi1> -> vector<16xf32>
      %broadcast_in_dim3A_312 = arith.constant true
      %broadcast_in_dim3A_313 = vector.broadcast %broadcast_in_dim3A_312 : i1 to vector<16xi1>
      %masked_cumsum3A_314 = tpu.scan <sum>, %mul3A_289 masked %broadcast_in_dim3A_313 : vector<16xf32>, vector<16xi1> -> vector<16xf32>
      %broadcast_in_dim3A_315 = arith.constant true
      %broadcast_in_dim3A_316 = vector.broadcast %broadcast_in_dim3A_315 : i1 to vector<16xi1>
      %masked_cumsum3A_317 = tpu.scan <sum>, %mul3A_290 masked %broadcast_in_dim3A_316 : vector<16xf32>, vector<16xi1> -> vector<16xf32>
      %broadcast_in_dim3A_318 = arith.constant true
      %broadcast_in_dim3A_319 = vector.broadcast %broadcast_in_dim3A_318 : i1 to vector<16xi1>
      %masked_cumsum3A_320 = tpu.scan <sum>, %mul3A_291 masked %broadcast_in_dim3A_319 : vector<16xf32>, vector<16xi1> -> vector<16xf32>
      %reduce_sum3A_321 = arith.constant true
      %reduce_sum3A_322 = vector.broadcast %reduce_sum3A_321 : i1 to vector<16xi1>
      %reduce_sum3A_323 = tpu.scan <sum>, %mul3A_282 masked %reduce_sum3A_322 : vector<16xf32>, vector<16xi1> -> vector<16xf32>
      %reduce_sum3A_324 = vector.extract %reduce_sum3A_323[15] : f32 from vector<16xf32>
      %broadcast_in_dim3A_325 = vector.broadcast %reduce_sum3A_324 : f32 to vector<16xf32>
      %reduce_sum3A_326 = arith.constant true
      %reduce_sum3A_327 = vector.broadcast %reduce_sum3A_326 : i1 to vector<16xi1>
      %reduce_sum3A_328 = tpu.scan <sum>, %mul3A_283 masked %reduce_sum3A_327 : vector<16xf32>, vector<16xi1> -> vector<16xf32>
      %reduce_sum3A_329 = vector.extract %reduce_sum3A_328[15] : f32 from vector<16xf32>
      %broadcast_in_dim3A_330 = vector.broadcast %reduce_sum3A_329 : f32 to vector<16xf32>
      %reduce_sum3A_331 = arith.constant true
      %reduce_sum3A_332 = vector.broadcast %reduce_sum3A_331 : i1 to vector<16xi1>
      %reduce_sum3A_333 = tpu.scan <sum>, %mul3A_284 masked %reduce_sum3A_332 : vector<16xf32>, vector<16xi1> -> vector<16xf32>
      %reduce_sum3A_334 = vector.extract %reduce_sum3A_333[15] : f32 from vector<16xf32>
      %broadcast_in_dim3A_335 = vector.broadcast %reduce_sum3A_334 : f32 to vector<16xf32>
      %reduce_sum3A_336 = arith.constant true
      %reduce_sum3A_337 = vector.broadcast %reduce_sum3A_336 : i1 to vector<16xi1>
      %reduce_sum3A_338 = tpu.scan <sum>, %mul3A_285 masked %reduce_sum3A_337 : vector<16xf32>, vector<16xi1> -> vector<16xf32>
      %reduce_sum3A_339 = vector.extract %reduce_sum3A_338[15] : f32 from vector<16xf32>
      %broadcast_in_dim3A_340 = vector.broadcast %reduce_sum3A_339 : f32 to vector<16xf32>
      %reduce_sum3A_341 = arith.constant true
      %reduce_sum3A_342 = vector.broadcast %reduce_sum3A_341 : i1 to vector<16xi1>
      %reduce_sum3A_343 = tpu.scan <sum>, %mul3A_286 masked %reduce_sum3A_342 : vector<16xf32>, vector<16xi1> -> vector<16xf32>
      %reduce_sum3A_344 = vector.extract %reduce_sum3A_343[15] : f32 from vector<16xf32>
      %broadcast_in_dim3A_345 = vector.broadcast %reduce_sum3A_344 : f32 to vector<16xf32>
      %reduce_sum3A_346 = arith.constant true
      %reduce_sum3A_347 = vector.broadcast %reduce_sum3A_346 : i1 to vector<16xi1>
      %reduce_sum3A_348 = tpu.scan <sum>, %mul3A_287 masked %reduce_sum3A_347 : vector<16xf32>, vector<16xi1> -> vector<16xf32>
      %reduce_sum3A_349 = vector.extract %reduce_sum3A_348[15] : f32 from vector<16xf32>
      %broadcast_in_dim3A_350 = vector.broadcast %reduce_sum3A_349 : f32 to vector<16xf32>
      %reduce_sum3A_351 = arith.constant true
      %reduce_sum3A_352 = vector.broadcast %reduce_sum3A_351 : i1 to vector<16xi1>
      %reduce_sum3A_353 = tpu.scan <sum>, %mul3A_288 masked %reduce_sum3A_352 : vector<16xf32>, vector<16xi1> -> vector<16xf32>
      %reduce_sum3A_354 = vector.extract %reduce_sum3A_353[15] : f32 from vector<16xf32>
      %broadcast_in_dim3A_355 = vector.broadcast %reduce_sum3A_354 : f32 to vector<16xf32>
      %reduce_sum3A_356 = arith.constant true
      %reduce_sum3A_357 = vector.broadcast %reduce_sum3A_356 : i1 to vector<16xi1>
      %reduce_sum3A_358 = tpu.scan <sum>, %mul3A_289 masked %reduce_sum3A_357 : vector<16xf32>, vector<16xi1> -> vector<16xf32>
      %reduce_sum3A_359 = vector.extract %reduce_sum3A_358[15] : f32 from vector<16xf32>
      %broadcast_in_dim3A_360 = vector.broadcast %reduce_sum3A_359 : f32 to vector<16xf32>
      %reduce_sum3A_361 = arith.constant true
      %reduce_sum3A_362 = vector.broadcast %reduce_sum3A_361 : i1 to vector<16xi1>
      %reduce_sum3A_363 = tpu.scan <sum>, %mul3A_290 masked %reduce_sum3A_362 : vector<16xf32>, vector<16xi1> -> vector<16xf32>
      %reduce_sum3A_364 = vector.extract %reduce_sum3A_363[15] : f32 from vector<16xf32>
      %broadcast_in_dim3A_365 = vector.broadcast %reduce_sum3A_364 : f32 to vector<16xf32>
      %reduce_sum3A_366 = arith.constant true
      %reduce_sum3A_367 = vector.broadcast %reduce_sum3A_366 : i1 to vector<16xi1>
      %reduce_sum3A_368 = tpu.scan <sum>, %mul3A_291 masked %reduce_sum3A_367 : vector<16xf32>, vector<16xi1> -> vector<16xf32>
      %reduce_sum3A_369 = vector.extract %reduce_sum3A_368[15] : f32 from vector<16xf32>
      %broadcast_in_dim3A_370 = vector.broadcast %reduce_sum3A_369 : f32 to vector<16xf32>
      %sub3A_371 = arith.subf %masked_cumsum3A, %mul3A_282 : vector<16xf32>
      %add3A_372 = arith.addf %scan3A_239, %sub3A_371 : vector<16xf32>
      %add3A_373 = arith.constant 0 : i32
      %add3A_374 = arith.addi %mul3A_241, %add3A_373 : i32
      %swap3A_375 = arith.index_cast %add3A_374 : i32 to index
      %swap3A_376 = tpu.vector_load %arg6[%swap3A_375] {strides = array<i32>} : memref<8000xf32, #tpu.memory_space<vmem>>, vector<16xf32>,
      tpu.vector_store %arg6[%swap3A_375], %add3A_372 {strides = array<i32>} : memref<8000xf32, #tpu.memory_space<vmem>>, vector<16xf32>,
      %add3A_377 = arith.addf %scan3A_239, %broadcast_in_dim3A_325 : vector<16xf32>
      %sub3A_378 = arith.subf %masked_cumsum3A_296, %mul3A_283 : vector<16xf32>
      %add3A_379 = arith.addf %add3A_377, %sub3A_378 : vector<16xf32>
      %add3A_380 = arith.constant 16 : i32
      %add3A_381 = arith.addi %mul3A_241, %add3A_380 : i32
      %swap3A_382 = arith.index_cast %add3A_381 : i32 to index
      %swap3A_383 = tpu.vector_load %arg6[%swap3A_382] {strides = array<i32>} : memref<8000xf32, #tpu.memory_space<vmem>>, vector<16xf32>,
      tpu.vector_store %arg6[%swap3A_382], %add3A_379 {strides = array<i32>} : memref<8000xf32, #tpu.memory_space<vmem>>, vector<16xf32>,
      %add3A_384 = arith.addf %add3A_377, %broadcast_in_dim3A_330 : vector<16xf32>
      %sub3A_385 = arith.subf %masked_cumsum3A_299, %mul3A_284 : vector<16xf32>
      %add3A_386 = arith.addf %add3A_384, %sub3A_385 : vector<16xf32>
      %add3A_387 = arith.constant 32 : i32
      %add3A_388 = arith.addi %mul3A_241, %add3A_387 : i32
      %swap3A_389 = arith.index_cast %add3A_388 : i32 to index
      %swap3A_390 = tpu.vector_load %arg6[%swap3A_389] {strides = array<i32>} : memref<8000xf32, #tpu.memory_space<vmem>>, vector<16xf32>,
      tpu.vector_store %arg6[%swap3A_389], %add3A_386 {strides = array<i32>} : memref<8000xf32, #tpu.memory_space<vmem>>, vector<16xf32>,
      %add3A_391 = arith.addf %add3A_384, %broadcast_in_dim3A_335 : vector<16xf32>
      %sub3A_392 = arith.subf %masked_cumsum3A_302, %mul3A_285 : vector<16xf32>
      %add3A_393 = arith.addf %add3A_391, %sub3A_392 : vector<16xf32>
      %add3A_394 = arith.constant 48 : i32
      %add3A_395 = arith.addi %mul3A_241, %add3A_394 : i32
      %swap3A_396 = arith.index_cast %add3A_395 : i32 to index
      %swap3A_397 = tpu.vector_load %arg6[%swap3A_396] {strides = array<i32>} : memref<8000xf32, #tpu.memory_space<vmem>>, vector<16xf32>,
      tpu.vector_store %arg6[%swap3A_396], %add3A_393 {strides = array<i32>} : memref<8000xf32, #tpu.memory_space<vmem>>, vector<16xf32>,
      %add3A_398 = arith.addf %add3A_391, %broadcast_in_dim3A_340 : vector<16xf32>
      %sub3A_399 = arith.subf %masked_cumsum3A_305, %mul3A_286 : vector<16xf32>
      %add3A_400 = arith.addf %add3A_398, %sub3A_399 : vector<16xf32>
      %add3A_401 = arith.constant 64 : i32
      %add3A_402 = arith.addi %mul3A_241, %add3A_401 : i32
      %swap3A_403 = arith.index_cast %add3A_402 : i32 to index
      %swap3A_404 = tpu.vector_load %arg6[%swap3A_403] {strides = array<i32>} : memref<8000xf32, #tpu.memory_space<vmem>>, vector<16xf32>,
      tpu.vector_store %arg6[%swap3A_403], %add3A_400 {strides = array<i32>} : memref<8000xf32, #tpu.memory_space<vmem>>, vector<16xf32>,
      %add3A_405 = arith.addf %add3A_398, %broadcast_in_dim3A_345 : vector<16xf32>
      %sub3A_406 = arith.subf %masked_cumsum3A_308, %mul3A_287 : vector<16xf32>
      %add3A_407 = arith.addf %add3A_405, %sub3A_406 : vector<16xf32>
      %add3A_408 = arith.constant 80 : i32
      %add3A_409 = arith.addi %mul3A_241, %add3A_408 : i32
      %swap3A_410 = arith.index_cast %add3A_409 : i32 to index
      %swap3A_411 = tpu.vector_load %arg6[%swap3A_410] {strides = array<i32>} : memref<8000xf32, #tpu.memory_space<vmem>>, vector<16xf32>,
      tpu.vector_store %arg6[%swap3A_410], %add3A_407 {strides = array<i32>} : memref<8000xf32, #tpu.memory_space<vmem>>, vector<16xf32>,
      %add3A_412 = arith.addf %add3A_405, %broadcast_in_dim3A_350 : vector<16xf32>
      %sub3A_413 = arith.subf %masked_cumsum3A_311, %mul3A_288 : vector<16xf32>
      %add3A_414 = arith.addf %add3A_412, %sub3A_413 : vector<16xf32>
      %add3A_415 = arith.constant 96 : i32
      %add3A_416 = arith.addi %mul3A_241, %add3A_415 : i32
      %swap3A_417 = arith.index_cast %add3A_416 : i32 to index
      %swap3A_418 = tpu.vector_load %arg6[%swap3A_417] {strides = array<i32>} : memref<8000xf32, #tpu.memory_space<vmem>>, vector<16xf32>,
      tpu.vector_store %arg6[%swap3A_417], %add3A_414 {strides = array<i32>} : memref<8000xf32, #tpu.memory_space<vmem>>, vector<16xf32>,
      %add3A_419 = arith.addf %add3A_412, %broadcast_in_dim3A_355 : vector<16xf32>
      %sub3A_420 = arith.subf %masked_cumsum3A_314, %mul3A_289 : vector<16xf32>
      %add3A_421 = arith.addf %add3A_419, %sub3A_420 : vector<16xf32>
      %add3A_422 = arith.constant 112 : i32
      %add3A_423 = arith.addi %mul3A_241, %add3A_422 : i32
      %swap3A_424 = arith.index_cast %add3A_423 : i32 to index
      %swap3A_425 = tpu.vector_load %arg6[%swap3A_424] {strides = array<i32>} : memref<8000xf32, #tpu.memory_space<vmem>>, vector<16xf32>,
      tpu.vector_store %arg6[%swap3A_424], %add3A_421 {strides = array<i32>} : memref<8000xf32, #tpu.memory_space<vmem>>, vector<16xf32>,
      %add3A_426 = arith.addf %add3A_419, %broadcast_in_dim3A_360 : vector<16xf32>
      %sub3A_427 = arith.subf %masked_cumsum3A_317, %mul3A_290 : vector<16xf32>
      %add3A_428 = arith.addf %add3A_426, %sub3A_427 : vector<16xf32>
      %add3A_429 = arith.constant 128 : i32
      %add3A_430 = arith.addi %mul3A_241, %add3A_429 : i32
      %swap3A_431 = arith.index_cast %add3A_430 : i32 to index
      %swap3A_432 = tpu.vector_load %arg6[%swap3A_431] {strides = array<i32>} : memref<8000xf32, #tpu.memory_space<vmem>>, vector<16xf32>,
      tpu.vector_store %arg6[%swap3A_431], %add3A_428 {strides = array<i32>} : memref<8000xf32, #tpu.memory_space<vmem>>, vector<16xf32>,
      %add3A_433 = arith.addf %add3A_426, %broadcast_in_dim3A_365 : vector<16xf32>
      %sub3A_434 = arith.subf %masked_cumsum3A_320, %mul3A_291 : vector<16xf32>
      %add3A_435 = arith.addf %add3A_433, %sub3A_434 : vector<16xf32>
      %add3A_436 = arith.constant 144 : i32
      %add3A_437 = arith.addi %mul3A_241, %add3A_436 : i32
      %swap3A_438 = arith.index_cast %add3A_437 : i32 to index
      %swap3A_439 = tpu.vector_load %arg6[%swap3A_438] {strides = array<i32>} : memref<8000xf32, #tpu.memory_space<vmem>>, vector<16xf32>,
      tpu.vector_store %arg6[%swap3A_438], %add3A_435 {strides = array<i32>} : memref<8000xf32, #tpu.memory_space<vmem>>, vector<16xf32>,
      %add3A_440 = arith.addf %add3A_433, %broadcast_in_dim3A_370 : vector<16xf32>
      scf.yield %add3A_440 : vector<16xf32>
    }
    %scan3A_82 = arith.constant 50 : i32
    %broadcast_in_dim3A_83 = vector.broadcast %reduce_sum3A_74 : f32 to vector<16xf32>
    %add3A_84 = arith.addf %broadcast_in_dim3A_83, %scan3A_81 : vector<16xf32>
    %swap3A = arith.constant 0 : index
    %swap3A_85 = tpu.vector_load %arg8[%swap3A] {strides = array<i32>} : memref<16xf32, #tpu.memory_space<vmem>>, vector<16xf32>,
    tpu.vector_store %arg8[%swap3A], %add3A_84 {strides = array<i32>} : memref<16xf32, #tpu.memory_space<vmem>>, vector<16xf32>,
    %mul3A_86 = arith.constant 8000 : i32
    %mul3A_87 = arith.muli %arg1, %mul3A_86 : i32
    "tpu.region"() ({
      %run_scoped3A_238 = tpu.sem_alloc : memref<!tpu.dma_semaphore, #tpu.memory_space<semaphore_mem>>
      %dma_start3A = tpu.memref_slice %arg11[%mul3A_87] : memref<128000xf32, #tpu.memory_space<vmem_shared>> -> memref<8000xf32, #tpu.memory_space<vmem_shared>>
      %dma_start3A_239 = tpu.memref_slice %arg11[%mul3A_87] : memref<128000xf32, #tpu.memory_space<vmem_shared>> -> memref<8000xf32, #tpu.memory_space<vmem_shared>>
      tpu.enqueue_dma source(%arg6 : memref<8000xf32, #tpu.memory_space<vmem>>) target(%dma_start3A_239 : memref<8000xf32, #tpu.memory_space<vmem_shared>>) target_semaphore(%run_scoped3A_238 : memref<!tpu.dma_semaphore, #tpu.memory_space<semaphore_mem>>)
      %dma_wait3A = tpu.memref_slice %arg11[%mul3A_87] : memref<128000xf32, #tpu.memory_space<vmem_shared>> -> memref<8000xf32, #tpu.memory_space<vmem_shared>>
      %dma_wait3A_240 = tpu.memref_slice %arg11[%mul3A_87] : memref<128000xf32, #tpu.memory_space<vmem_shared>> -> memref<8000xf32, #tpu.memory_space<vmem_shared>>
      tpu.wait_dma2 semaphore(%run_scoped3A_238 : memref<!tpu.dma_semaphore, #tpu.memory_space<semaphore_mem>>) src(%arg6 : memref<8000xf32, #tpu.memory_space<vmem>>) dst(%dma_wait3A_240 : memref<8000xf32, #tpu.memory_space<vmem_shared>>)
      tpu.yield
    }) : () -> ()
    %mul3A_88 = arith.constant 16 : i32
    %mul3A_89 = arith.muli %arg1, %mul3A_88 : i32
    "tpu.region"() ({
      %run_scoped3A_238 = tpu.sem_alloc : memref<!tpu.dma_semaphore, #tpu.memory_space<semaphore_mem>>
      %dma_start3A = tpu.memref_slice %arg12[%mul3A_89] : memref<256xf32, #tpu.memory_space<vmem_shared>> -> memref<16xf32, #tpu.memory_space<vmem_shared>>
      %dma_start3A_239 = tpu.memref_slice %arg12[%mul3A_89] : memref<256xf32, #tpu.memory_space<vmem_shared>> -> memref<16xf32, #tpu.memory_space<vmem_shared>>
      tpu.enqueue_dma source(%arg8 : memref<16xf32, #tpu.memory_space<vmem>>) target(%dma_start3A_239 : memref<16xf32, #tpu.memory_space<vmem_shared>>) target_semaphore(%run_scoped3A_238 : memref<!tpu.dma_semaphore, #tpu.memory_space<semaphore_mem>>)
      %dma_wait3A = tpu.memref_slice %arg12[%mul3A_89] : memref<256xf32, #tpu.memory_space<vmem_shared>> -> memref<16xf32, #tpu.memory_space<vmem_shared>>
      %dma_wait3A_240 = tpu.memref_slice %arg12[%mul3A_89] : memref<256xf32, #tpu.memory_space<vmem_shared>> -> memref<16xf32, #tpu.memory_space<vmem_shared>>
      tpu.wait_dma2 semaphore(%run_scoped3A_238 : memref<!tpu.dma_semaphore, #tpu.memory_space<semaphore_mem>>) src(%arg8 : memref<16xf32, #tpu.memory_space<vmem>>) dst(%dma_wait3A_240 : memref<16xf32, #tpu.memory_space<vmem_shared>>)
      tpu.yield
    }) : () -> ()
    %barrier3A = arith.constant 0 : index
    tpu.barrier barrier_id(%barrier3A)
    %xor3A = arith.constant 8 : i32
    %xor3A_90 = arith.xori %arg1, %xor3A : i32
    %mul3A_91 = arith.constant 4000 : i32
    %mul3A_92 = arith.muli %select_n3A, %mul3A_91 : i32
    %mul3A_93 = arith.constant 8000 : i32
    %mul3A_94 = arith.muli %xor3A_90, %mul3A_93 : i32
    %add3A_95 = arith.addi %mul3A_94, %mul3A_92 : i32
    "tpu.region"() ({
      %run_scoped3A_238 = tpu.sem_alloc : memref<!tpu.dma_semaphore, #tpu.memory_space<semaphore_mem>>
      %dma_start3A = tpu.memref_slice %arg11[%add3A_95] : memref<128000xf32, #tpu.memory_space<vmem_shared>> -> memref<4000xf32, #tpu.memory_space<vmem_shared>>
      %dma_start3A_239 = tpu.memref_slice %arg11[%add3A_95] : memref<128000xf32, #tpu.memory_space<vmem_shared>> -> memref<4000xf32, #tpu.memory_space<vmem_shared>>
      tpu.enqueue_dma source(%dma_start3A_239 : memref<4000xf32, #tpu.memory_space<vmem_shared>>) target(%arg7 : memref<4000xf32, #tpu.memory_space<vmem>>) target_semaphore(%run_scoped3A_238 : memref<!tpu.dma_semaphore, #tpu.memory_space<semaphore_mem>>)
      %dma_wait3A = tpu.memref_slice %arg11[%add3A_95] : memref<128000xf32, #tpu.memory_space<vmem_shared>> -> memref<4000xf32, #tpu.memory_space<vmem_shared>>
      %dma_wait3A_240 = tpu.memref_slice %arg11[%add3A_95] : memref<128000xf32, #tpu.memory_space<vmem_shared>> -> memref<4000xf32, #tpu.memory_space<vmem_shared>>
      tpu.wait_dma2 semaphore(%run_scoped3A_238 : memref<!tpu.dma_semaphore, #tpu.memory_space<semaphore_mem>>) src(%dma_wait3A_240 : memref<4000xf32, #tpu.memory_space<vmem_shared>>) dst(%arg7 : memref<4000xf32, #tpu.memory_space<vmem>>)
      tpu.yield
    }) : () -> ()
    %mul3A_96 = arith.constant 16 : i32
    %mul3A_97 = arith.muli %xor3A_90, %mul3A_96 : i32
    "tpu.region"() ({
      %run_scoped3A_238 = tpu.sem_alloc : memref<!tpu.dma_semaphore, #tpu.memory_space<semaphore_mem>>
      %dma_start3A = tpu.memref_slice %arg12[%mul3A_97] : memref<256xf32, #tpu.memory_space<vmem_shared>> -> memref<16xf32, #tpu.memory_space<vmem_shared>>
      %dma_start3A_239 = tpu.memref_slice %arg12[%mul3A_97] : memref<256xf32, #tpu.memory_space<vmem_shared>> -> memref<16xf32, #tpu.memory_space<vmem_shared>>
      tpu.enqueue_dma source(%dma_start3A_239 : memref<16xf32, #tpu.memory_space<vmem_shared>>) target(%arg9 : memref<16xf32, #tpu.memory_space<vmem>>) target_semaphore(%run_scoped3A_238 : memref<!tpu.dma_semaphore, #tpu.memory_space<semaphore_mem>>)
      %dma_wait3A = tpu.memref_slice %arg12[%mul3A_97] : memref<256xf32, #tpu.memory_space<vmem_shared>> -> memref<16xf32, #tpu.memory_space<vmem_shared>>
      %dma_wait3A_240 = tpu.memref_slice %arg12[%mul3A_97] : memref<256xf32, #tpu.memory_space<vmem_shared>> -> memref<16xf32, #tpu.memory_space<vmem_shared>>
      tpu.wait_dma2 semaphore(%run_scoped3A_238 : memref<!tpu.dma_semaphore, #tpu.memory_space<semaphore_mem>>) src(%dma_wait3A_240 : memref<16xf32, #tpu.memory_space<vmem_shared>>) dst(%arg9 : memref<16xf32, #tpu.memory_space<vmem>>)
      tpu.yield
    }) : () -> ()
    %get3A = arith.constant 0 : index
    %get3A_98 = tpu.vector_load %arg9[%get3A] {strides = array<i32>} : memref<16xf32, #tpu.memory_space<vmem>>, vector<16xf32>,
    %bitcast_convert_type3A = tpu.bitcast %get3A_98 : vector<16xf32> -> vector<16xi32>
    %shift_right_logical3A = arith.constant 23 : i32
    %shift_right_logical3A_99 = vector.broadcast %shift_right_logical3A : i32 to vector<16xi32>
    %shift_right_logical3A_100 = arith.shrui %bitcast_convert_type3A, %shift_right_logical3A_99 : vector<16xi32>
    %convert_element_type3A_101 = arith.sitofp %shift_right_logical3A_100 : vector<16xi32> to vector<16xf32>
    %and3A_102 = arith.constant 8388607 : i32
    %and3A_103 = vector.broadcast %and3A_102 : i32 to vector<16xi32>
    %and3A_104 = arith.andi %bitcast_convert_type3A, %and3A_103 : vector<16xi32>
    %or3A = arith.constant 1065353216 : i32
    %or3A_105 = vector.broadcast %or3A : i32 to vector<16xi32>
    %or3A_106 = arith.ori %and3A_104, %or3A_105 : vector<16xi32>
    %bitcast_convert_type3A_107 = tpu.bitcast %or3A_106 : vector<16xi32> -> vector<16xf32>
    %sub3A_108 = arith.constant 1.000000e+00 : f32
    %sub3A_109 = vector.broadcast %sub3A_108 : f32 to vector<16xf32>
    %sub3A_110 = arith.subf %bitcast_convert_type3A_107, %sub3A_109 : vector<16xf32>
    %mul3A_111 = arith.mulf %sub3A_110, %sub3A_110 : vector<16xf32>
    %mul3A_112 = arith.mulf %mul3A_111, %mul3A_111 : vector<16xf32>
    %mul3A_113 = arith.constant 1.4426868 : f32
    %mul3A_114 = vector.broadcast %mul3A_113 : f32 to vector<16xf32>
    %mul3A_115 = arith.mulf %mul3A_114, %sub3A_110 : vector<16xf32>
    %add3A_116 = arith.constant 4.88635798E-8 : f32
    %add3A_117 = vector.broadcast %add3A_116 : f32 to vector<16xf32>
    %add3A_118 = arith.addf %add3A_117, %mul3A_115 : vector<16xf32>
    %mul3A_119 = arith.constant 0.478323549 : f32
    %mul3A_120 = vector.broadcast %mul3A_119 : f32 to vector<16xf32>
    %mul3A_121 = arith.mulf %mul3A_120, %sub3A_110 : vector<16xf32>
    %add3A_122 = arith.constant -0.721114635 : f32
    %add3A_123 = vector.broadcast %add3A_122 : f32 to vector<16xf32>
    %add3A_124 = arith.addf %add3A_123, %mul3A_121 : vector<16xf32>
    %mul3A_125 = arith.mulf %add3A_124, %mul3A_111 : vector<16xf32>
    %add3A_126 = arith.addf %add3A_118, %mul3A_125 : vector<16xf32>
    %mul3A_127 = arith.constant 0.239231661 : f32
    %mul3A_128 = vector.broadcast %mul3A_127 : f32 to vector<16xf32>
    %mul3A_129 = arith.mulf %mul3A_128, %sub3A_110 : vector<16xf32>
    %add3A_130 = arith.constant -0.345996022 : f32
    %add3A_131 = vector.broadcast %add3A_130 : f32 to vector<16xf32>
    %add3A_132 = arith.addf %add3A_131, %mul3A_129 : vector<16xf32>
    %mul3A_133 = arith.constant 0.0502775088 : f32
    %mul3A_134 = vector.broadcast %mul3A_133 : f32 to vector<16xf32>
    %mul3A_135 = arith.mulf %mul3A_134, %sub3A_110 : vector<16xf32>
    %add3A_136 = arith.constant -0.134534255 : f32
    %add3A_137 = vector.broadcast %add3A_136 : f32 to vector<16xf32>
    %add3A_138 = arith.addf %add3A_137, %mul3A_135 : vector<16xf32>
    %mul3A_139 = arith.mulf %add3A_138, %mul3A_111 : vector<16xf32>
    %add3A_140 = arith.addf %add3A_132, %mul3A_139 : vector<16xf32>
    %mul3A_141 = arith.constant -0.00887469668 : f32
    %mul3A_142 = vector.broadcast %mul3A_141 : f32 to vector<16xf32>
    %mul3A_143 = arith.mulf %mul3A_142, %mul3A_112 : vector<16xf32>
    %add3A_144 = arith.addf %add3A_140, %mul3A_143 : vector<16xf32>
    %mul3A_145 = arith.mulf %add3A_144, %mul3A_112 : vector<16xf32>
    %add3A_146 = arith.addf %add3A_126, %mul3A_145 : vector<16xf32>
    %add3A_147 = arith.addf %convert_element_type3A_101, %add3A_146 : vector<16xf32>
    %mul3A_148 = arith.constant 3.010300e+00 : f32
    %mul3A_149 = vector.broadcast %mul3A_148 : f32 to vector<16xf32>
    %mul3A_150 = arith.mulf %add3A_147, %mul3A_149 : vector<16xf32>
    %bitcast_convert_type3A_151 = tpu.bitcast %add3A_84 : vector<16xf32> -> vector<16xi32>
    %shift_right_logical3A_152 = arith.constant 23 : i32
    %shift_right_logical3A_153 = vector.broadcast %shift_right_logical3A_152 : i32 to vector<16xi32>
    %shift_right_logical3A_154 = arith.shrui %bitcast_convert_type3A_151, %shift_right_logical3A_153 : vector<16xi32>
    %convert_element_type3A_155 = arith.sitofp %shift_right_logical3A_154 : vector<16xi32> to vector<16xf32>
    %and3A_156 = arith.constant 8388607 : i32
    %and3A_157 = vector.broadcast %and3A_156 : i32 to vector<16xi32>
    %and3A_158 = arith.andi %bitcast_convert_type3A_151, %and3A_157 : vector<16xi32>
    %or3A_159 = arith.constant 1065353216 : i32
    %or3A_160 = vector.broadcast %or3A_159 : i32 to vector<16xi32>
    %or3A_161 = arith.ori %and3A_158, %or3A_160 : vector<16xi32>
    %bitcast_convert_type3A_162 = tpu.bitcast %or3A_161 : vector<16xi32> -> vector<16xf32>
    %sub3A_163 = arith.constant 1.000000e+00 : f32
    %sub3A_164 = vector.broadcast %sub3A_163 : f32 to vector<16xf32>
    %sub3A_165 = arith.subf %bitcast_convert_type3A_162, %sub3A_164 : vector<16xf32>
    %mul3A_166 = arith.mulf %sub3A_165, %sub3A_165 : vector<16xf32>
    %mul3A_167 = arith.mulf %mul3A_166, %mul3A_166 : vector<16xf32>
    %mul3A_168 = arith.constant 1.4426868 : f32
    %mul3A_169 = vector.broadcast %mul3A_168 : f32 to vector<16xf32>
    %mul3A_170 = arith.mulf %mul3A_169, %sub3A_165 : vector<16xf32>
    %add3A_171 = arith.constant 4.88635798E-8 : f32
    %add3A_172 = vector.broadcast %add3A_171 : f32 to vector<16xf32>
    %add3A_173 = arith.addf %add3A_172, %mul3A_170 : vector<16xf32>
    %mul3A_174 = arith.constant 0.478323549 : f32
    %mul3A_175 = vector.broadcast %mul3A_174 : f32 to vector<16xf32>
    %mul3A_176 = arith.mulf %mul3A_175, %sub3A_165 : vector<16xf32>
    %add3A_177 = arith.constant -0.721114635 : f32
    %add3A_178 = vector.broadcast %add3A_177 : f32 to vector<16xf32>
    %add3A_179 = arith.addf %add3A_178, %mul3A_176 : vector<16xf32>
    %mul3A_180 = arith.mulf %add3A_179, %mul3A_166 : vector<16xf32>
    %add3A_181 = arith.addf %add3A_173, %mul3A_180 : vector<16xf32>
    %mul3A_182 = arith.constant 0.239231661 : f32
    %mul3A_183 = vector.broadcast %mul3A_182 : f32 to vector<16xf32>
    %mul3A_184 = arith.mulf %mul3A_183, %sub3A_165 : vector<16xf32>
    %add3A_185 = arith.constant -0.345996022 : f32
    %add3A_186 = vector.broadcast %add3A_185 : f32 to vector<16xf32>
    %add3A_187 = arith.addf %add3A_186, %mul3A_184 : vector<16xf32>
    %mul3A_188 = arith.constant 0.0502775088 : f32
    %mul3A_189 = vector.broadcast %mul3A_188 : f32 to vector<16xf32>
    %mul3A_190 = arith.mulf %mul3A_189, %sub3A_165 : vector<16xf32>
    %add3A_191 = arith.constant -0.134534255 : f32
    %add3A_192 = vector.broadcast %add3A_191 : f32 to vector<16xf32>
    %add3A_193 = arith.addf %add3A_192, %mul3A_190 : vector<16xf32>
    %mul3A_194 = arith.mulf %add3A_193, %mul3A_166 : vector<16xf32>
    %add3A_195 = arith.addf %add3A_187, %mul3A_194 : vector<16xf32>
    %mul3A_196 = arith.constant -0.00887469668 : f32
    %mul3A_197 = vector.broadcast %mul3A_196 : f32 to vector<16xf32>
    %mul3A_198 = arith.mulf %mul3A_197, %mul3A_167 : vector<16xf32>
    %add3A_199 = arith.addf %add3A_195, %mul3A_198 : vector<16xf32>
    %mul3A_200 = arith.mulf %add3A_199, %mul3A_167 : vector<16xf32>
    %add3A_201 = arith.addf %add3A_181, %mul3A_200 : vector<16xf32>
    %add3A_202 = arith.addf %convert_element_type3A_155, %add3A_201 : vector<16xf32>
    %mul3A_203 = arith.constant 3.010300e+00 : f32
    %mul3A_204 = vector.broadcast %mul3A_203 : f32 to vector<16xf32>
    %mul3A_205 = arith.mulf %add3A_202, %mul3A_204 : vector<16xf32>
    %sub3A_206 = arith.subf %mul3A_150, %mul3A_205 : vector<16xf32>
    %sub3A_207 = arith.constant 382.308105 : f32
    %sub3A_208 = vector.broadcast %sub3A_207 : f32 to vector<16xf32>
    %sub3A_209 = arith.subf %sub3A_206, %sub3A_208 : vector<16xf32>
    %get3A_210 = arith.constant 0 : index
    %get3A_211 = tpu.vector_load %arg9[%get3A_210] {strides = array<i32>} : memref<16xf32, #tpu.memory_space<vmem>>, vector<16xf32>,
    %broadcast_in_dim3A_212 = arith.constant 0.000000e+00 : f32
    %broadcast_in_dim3A_213 = vector.broadcast %broadcast_in_dim3A_212 : f32 to vector<16xf32>
    %scan3A_214 = arith.constant 0 : i32
    %scan3A_215 = arith.constant 25 : i32
    %scan3A_216 = arith.addi %scan3A_214, %scan3A_215 : i32
    %scan3A_217 = arith.constant 1 : i32
    %scan3A_218 = scf.for %scan3A_238 = %scan3A_214 to %scan3A_216 step %scan3A_217 iter_args(%scan3A_239 = %broadcast_in_dim3A_213) -> (vector<16xf32>)  : i32 {
      %mul3A_240 = arith.constant 160 : i32
      %mul3A_241 = arith.muli %scan3A_238, %mul3A_240 : i32
      %add3A_242 = arith.addi %mul3A_92, %mul3A_241 : i32
      %add3A_243 = arith.constant 0 : i32
      %add3A_244 = arith.addi %add3A_242, %add3A_243 : i32
      %get3A_245 = arith.index_cast %add3A_244 : i32 to index
      %get3A_246 = tpu.vector_load %arg6[%get3A_245] {strides = array<i32>} : memref<8000xf32, #tpu.memory_space<vmem>>, vector<16xf32>,
      %sub3A_247 = arith.subf %add3A_84, %get3A_246 : vector<16xf32>
      %add3A_248 = arith.constant 0 : i32
      %add3A_249 = arith.addi %mul3A_241, %add3A_248 : i32
      %get3A_250 = arith.index_cast %add3A_249 : i32 to index
      %get3A_251 = tpu.vector_load %arg7[%get3A_250] {strides = array<i32>} : memref<4000xf32, #tpu.memory_space<vmem>>, vector<16xf32>,
      %sub3A_252 = arith.subf %get3A_211, %get3A_251 : vector<16xf32>
      %gt3A = arith.constant 0.000000e+00 : f32
      %gt3A_253 = vector.broadcast %gt3A : f32 to vector<16xf32>
      %gt3A_254 = arith.cmpf ogt, %sub3A_247, %gt3A_253 : vector<16xf32>
      %gt3A_255 = arith.constant 0.000000e+00 : f32
      %gt3A_256 = vector.broadcast %gt3A_255 : f32 to vector<16xf32>
      %gt3A_257 = arith.cmpf ogt, %sub3A_252, %gt3A_256 : vector<16xf32>
      %and3A_258 = arith.andi %gt3A_254, %gt3A_257 : vector<16xi1>
      %div3A_259 = arith.divf %sub3A_247, %sub3A_252 : vector<16xf32>
      %bitcast_convert_type3A_260 = tpu.bitcast %div3A_259 : vector<16xf32> -> vector<16xi32>
      %shift_right_logical3A_261 = arith.constant 23 : i32
      %shift_right_logical3A_262 = vector.broadcast %shift_right_logical3A_261 : i32 to vector<16xi32>
      %shift_right_logical3A_263 = arith.shrui %bitcast_convert_type3A_260, %shift_right_logical3A_262 : vector<16xi32>
      %convert_element_type3A_264 = arith.sitofp %shift_right_logical3A_263 : vector<16xi32> to vector<16xf32>
      %and3A_265 = arith.constant 8388607 : i32
      %and3A_266 = vector.broadcast %and3A_265 : i32 to vector<16xi32>
      %and3A_267 = arith.andi %bitcast_convert_type3A_260, %and3A_266 : vector<16xi32>
      %or3A_268 = arith.constant 1065353216 : i32
      %or3A_269 = vector.broadcast %or3A_268 : i32 to vector<16xi32>
      %or3A_270 = arith.ori %and3A_267, %or3A_269 : vector<16xi32>
      %bitcast_convert_type3A_271 = tpu.bitcast %or3A_270 : vector<16xi32> -> vector<16xf32>
      %sub3A_272 = arith.constant 1.000000e+00 : f32
      %sub3A_273 = vector.broadcast %sub3A_272 : f32 to vector<16xf32>
      %sub3A_274 = arith.subf %bitcast_convert_type3A_271, %sub3A_273 : vector<16xf32>
      %mul3A_275 = arith.mulf %sub3A_274, %sub3A_274 : vector<16xf32>
      %mul3A_276 = arith.mulf %mul3A_275, %mul3A_275 : vector<16xf32>
      %mul3A_277 = arith.constant 1.4426868 : f32
      %mul3A_278 = vector.broadcast %mul3A_277 : f32 to vector<16xf32>
      %mul3A_279 = arith.mulf %mul3A_278, %sub3A_274 : vector<16xf32>
      %add3A_280 = arith.constant 4.88635798E-8 : f32
      %add3A_281 = vector.broadcast %add3A_280 : f32 to vector<16xf32>
      %add3A_282 = arith.addf %add3A_281, %mul3A_279 : vector<16xf32>
      %mul3A_283 = arith.constant 0.478323549 : f32
      %mul3A_284 = vector.broadcast %mul3A_283 : f32 to vector<16xf32>
      %mul3A_285 = arith.mulf %mul3A_284, %sub3A_274 : vector<16xf32>
      %add3A_286 = arith.constant -0.721114635 : f32
      %add3A_287 = vector.broadcast %add3A_286 : f32 to vector<16xf32>
      %add3A_288 = arith.addf %add3A_287, %mul3A_285 : vector<16xf32>
      %mul3A_289 = arith.mulf %add3A_288, %mul3A_275 : vector<16xf32>
      %add3A_290 = arith.addf %add3A_282, %mul3A_289 : vector<16xf32>
      %mul3A_291 = arith.constant 0.239231661 : f32
      %mul3A_292 = vector.broadcast %mul3A_291 : f32 to vector<16xf32>
      %mul3A_293 = arith.mulf %mul3A_292, %sub3A_274 : vector<16xf32>
      %add3A_294 = arith.constant -0.345996022 : f32
      %add3A_295 = vector.broadcast %add3A_294 : f32 to vector<16xf32>
      %add3A_296 = arith.addf %add3A_295, %mul3A_293 : vector<16xf32>
      %mul3A_297 = arith.constant 0.0502775088 : f32
      %mul3A_298 = vector.broadcast %mul3A_297 : f32 to vector<16xf32>
      %mul3A_299 = arith.mulf %mul3A_298, %sub3A_274 : vector<16xf32>
      %add3A_300 = arith.constant -0.134534255 : f32
      %add3A_301 = vector.broadcast %add3A_300 : f32 to vector<16xf32>
      %add3A_302 = arith.addf %add3A_301, %mul3A_299 : vector<16xf32>
      %mul3A_303 = arith.mulf %add3A_302, %mul3A_275 : vector<16xf32>
      %add3A_304 = arith.addf %add3A_296, %mul3A_303 : vector<16xf32>
      %mul3A_305 = arith.constant -0.00887469668 : f32
      %mul3A_306 = vector.broadcast %mul3A_305 : f32 to vector<16xf32>
      %mul3A_307 = arith.mulf %mul3A_306, %mul3A_276 : vector<16xf32>
      %add3A_308 = arith.addf %add3A_304, %mul3A_307 : vector<16xf32>
      %mul3A_309 = arith.mulf %add3A_308, %mul3A_276 : vector<16xf32>
      %add3A_310 = arith.addf %add3A_290, %mul3A_309 : vector<16xf32>
      %add3A_311 = arith.addf %convert_element_type3A_264, %add3A_310 : vector<16xf32>
      %mul3A_312 = arith.constant 3.010300e+00 : f32
      %mul3A_313 = vector.broadcast %mul3A_312 : f32 to vector<16xf32>
      %mul3A_314 = arith.mulf %add3A_311, %mul3A_313 : vector<16xf32>
      %add3A_315 = arith.addf %mul3A_314, %sub3A_209 : vector<16xf32>
      %abs3A = math.absf %add3A_315 : vector<16xf32>
      %jit3A_316 = arith.constant 0.000000e+00 : f32
      %broadcast_in_dim3A_317 = vector.broadcast %jit3A_316 : f32 to vector<16xf32>
      %select_n3A_318 = arith.select %and3A_258, %abs3A, %broadcast_in_dim3A_317 : vector<16xi1>, vector<16xf32>
      %add3A_319 = arith.addf %scan3A_239, %select_n3A_318 : vector<16xf32>
      %add3A_320 = arith.addi %mul3A_92, %mul3A_241 : i32
      %add3A_321 = arith.constant 16 : i32
      %add3A_322 = arith.addi %add3A_320, %add3A_321 : i32
      %get3A_323 = arith.index_cast %add3A_322 : i32 to index
      %get3A_324 = tpu.vector_load %arg6[%get3A_323] {strides = array<i32>} : memref<8000xf32, #tpu.memory_space<vmem>>, vector<16xf32>,
      %sub3A_325 = arith.subf %add3A_84, %get3A_324 : vector<16xf32>
      %add3A_326 = arith.constant 16 : i32
      %add3A_327 = arith.addi %mul3A_241, %add3A_326 : i32
      %get3A_328 = arith.index_cast %add3A_327 : i32 to index
      %get3A_329 = tpu.vector_load %arg7[%get3A_328] {strides = array<i32>} : memref<4000xf32, #tpu.memory_space<vmem>>, vector<16xf32>,
      %sub3A_330 = arith.subf %get3A_211, %get3A_329 : vector<16xf32>
      %gt3A_331 = arith.constant 0.000000e+00 : f32
      %gt3A_332 = vector.broadcast %gt3A_331 : f32 to vector<16xf32>
      %gt3A_333 = arith.cmpf ogt, %sub3A_325, %gt3A_332 : vector<16xf32>
      %gt3A_334 = arith.constant 0.000000e+00 : f32
      %gt3A_335 = vector.broadcast %gt3A_334 : f32 to vector<16xf32>
      %gt3A_336 = arith.cmpf ogt, %sub3A_330, %gt3A_335 : vector<16xf32>
      %and3A_337 = arith.andi %gt3A_333, %gt3A_336 : vector<16xi1>
      %div3A_338 = arith.divf %sub3A_325, %sub3A_330 : vector<16xf32>
      %bitcast_convert_type3A_339 = tpu.bitcast %div3A_338 : vector<16xf32> -> vector<16xi32>
      %shift_right_logical3A_340 = arith.constant 23 : i32
      %shift_right_logical3A_341 = vector.broadcast %shift_right_logical3A_340 : i32 to vector<16xi32>
      %shift_right_logical3A_342 = arith.shrui %bitcast_convert_type3A_339, %shift_right_logical3A_341 : vector<16xi32>
      %convert_element_type3A_343 = arith.sitofp %shift_right_logical3A_342 : vector<16xi32> to vector<16xf32>
      %and3A_344 = arith.constant 8388607 : i32
      %and3A_345 = vector.broadcast %and3A_344 : i32 to vector<16xi32>
      %and3A_346 = arith.andi %bitcast_convert_type3A_339, %and3A_345 : vector<16xi32>
      %or3A_347 = arith.constant 1065353216 : i32
      %or3A_348 = vector.broadcast %or3A_347 : i32 to vector<16xi32>
      %or3A_349 = arith.ori %and3A_346, %or3A_348 : vector<16xi32>
      %bitcast_convert_type3A_350 = tpu.bitcast %or3A_349 : vector<16xi32> -> vector<16xf32>
      %sub3A_351 = arith.constant 1.000000e+00 : f32
      %sub3A_352 = vector.broadcast %sub3A_351 : f32 to vector<16xf32>
      %sub3A_353 = arith.subf %bitcast_convert_type3A_350, %sub3A_352 : vector<16xf32>
      %mul3A_354 = arith.mulf %sub3A_353, %sub3A_353 : vector<16xf32>
      %mul3A_355 = arith.mulf %mul3A_354, %mul3A_354 : vector<16xf32>
      %mul3A_356 = arith.constant 1.4426868 : f32
      %mul3A_357 = vector.broadcast %mul3A_356 : f32 to vector<16xf32>
      %mul3A_358 = arith.mulf %mul3A_357, %sub3A_353 : vector<16xf32>
      %add3A_359 = arith.constant 4.88635798E-8 : f32
      %add3A_360 = vector.broadcast %add3A_359 : f32 to vector<16xf32>
      %add3A_361 = arith.addf %add3A_360, %mul3A_358 : vector<16xf32>
      %mul3A_362 = arith.constant 0.478323549 : f32
      %mul3A_363 = vector.broadcast %mul3A_362 : f32 to vector<16xf32>
      %mul3A_364 = arith.mulf %mul3A_363, %sub3A_353 : vector<16xf32>
      %add3A_365 = arith.constant -0.721114635 : f32
      %add3A_366 = vector.broadcast %add3A_365 : f32 to vector<16xf32>
      %add3A_367 = arith.addf %add3A_366, %mul3A_364 : vector<16xf32>
      %mul3A_368 = arith.mulf %add3A_367, %mul3A_354 : vector<16xf32>
      %add3A_369 = arith.addf %add3A_361, %mul3A_368 : vector<16xf32>
      %mul3A_370 = arith.constant 0.239231661 : f32
      %mul3A_371 = vector.broadcast %mul3A_370 : f32 to vector<16xf32>
      %mul3A_372 = arith.mulf %mul3A_371, %sub3A_353 : vector<16xf32>
      %add3A_373 = arith.constant -0.345996022 : f32
      %add3A_374 = vector.broadcast %add3A_373 : f32 to vector<16xf32>
      %add3A_375 = arith.addf %add3A_374, %mul3A_372 : vector<16xf32>
      %mul3A_376 = arith.constant 0.0502775088 : f32
      %mul3A_377 = vector.broadcast %mul3A_376 : f32 to vector<16xf32>
      %mul3A_378 = arith.mulf %mul3A_377, %sub3A_353 : vector<16xf32>
      %add3A_379 = arith.constant -0.134534255 : f32
      %add3A_380 = vector.broadcast %add3A_379 : f32 to vector<16xf32>
      %add3A_381 = arith.addf %add3A_380, %mul3A_378 : vector<16xf32>
      %mul3A_382 = arith.mulf %add3A_381, %mul3A_354 : vector<16xf32>
      %add3A_383 = arith.addf %add3A_375, %mul3A_382 : vector<16xf32>
      %mul3A_384 = arith.constant -0.00887469668 : f32
      %mul3A_385 = vector.broadcast %mul3A_384 : f32 to vector<16xf32>
      %mul3A_386 = arith.mulf %mul3A_385, %mul3A_355 : vector<16xf32>
      %add3A_387 = arith.addf %add3A_383, %mul3A_386 : vector<16xf32>
      %mul3A_388 = arith.mulf %add3A_387, %mul3A_355 : vector<16xf32>
      %add3A_389 = arith.addf %add3A_369, %mul3A_388 : vector<16xf32>
      %add3A_390 = arith.addf %convert_element_type3A_343, %add3A_389 : vector<16xf32>
      %mul3A_391 = arith.constant 3.010300e+00 : f32
      %mul3A_392 = vector.broadcast %mul3A_391 : f32 to vector<16xf32>
      %mul3A_393 = arith.mulf %add3A_390, %mul3A_392 : vector<16xf32>
      %add3A_394 = arith.addf %mul3A_393, %sub3A_209 : vector<16xf32>
      %abs3A_395 = math.absf %add3A_394 : vector<16xf32>
      %jit3A_396 = arith.constant 0.000000e+00 : f32
      %broadcast_in_dim3A_397 = vector.broadcast %jit3A_396 : f32 to vector<16xf32>
      %select_n3A_398 = arith.select %and3A_337, %abs3A_395, %broadcast_in_dim3A_397 : vector<16xi1>, vector<16xf32>
      %add3A_399 = arith.addf %add3A_319, %select_n3A_398 : vector<16xf32>
      %add3A_400 = arith.addi %mul3A_92, %mul3A_241 : i32
      %add3A_401 = arith.constant 32 : i32
      %add3A_402 = arith.addi %add3A_400, %add3A_401 : i32
      %get3A_403 = arith.index_cast %add3A_402 : i32 to index
      %get3A_404 = tpu.vector_load %arg6[%get3A_403] {strides = array<i32>} : memref<8000xf32, #tpu.memory_space<vmem>>, vector<16xf32>,
      %sub3A_405 = arith.subf %add3A_84, %get3A_404 : vector<16xf32>
      %add3A_406 = arith.constant 32 : i32
      %add3A_407 = arith.addi %mul3A_241, %add3A_406 : i32
      %get3A_408 = arith.index_cast %add3A_407 : i32 to index
      %get3A_409 = tpu.vector_load %arg7[%get3A_408] {strides = array<i32>} : memref<4000xf32, #tpu.memory_space<vmem>>, vector<16xf32>,
      %sub3A_410 = arith.subf %get3A_211, %get3A_409 : vector<16xf32>
      %gt3A_411 = arith.constant 0.000000e+00 : f32
      %gt3A_412 = vector.broadcast %gt3A_411 : f32 to vector<16xf32>
      %gt3A_413 = arith.cmpf ogt, %sub3A_405, %gt3A_412 : vector<16xf32>
      %gt3A_414 = arith.constant 0.000000e+00 : f32
      %gt3A_415 = vector.broadcast %gt3A_414 : f32 to vector<16xf32>
      %gt3A_416 = arith.cmpf ogt, %sub3A_410, %gt3A_415 : vector<16xf32>
      %and3A_417 = arith.andi %gt3A_413, %gt3A_416 : vector<16xi1>
      %div3A_418 = arith.divf %sub3A_405, %sub3A_410 : vector<16xf32>
      %bitcast_convert_type3A_419 = tpu.bitcast %div3A_418 : vector<16xf32> -> vector<16xi32>
      %shift_right_logical3A_420 = arith.constant 23 : i32
      %shift_right_logical3A_421 = vector.broadcast %shift_right_logical3A_420 : i32 to vector<16xi32>
      %shift_right_logical3A_422 = arith.shrui %bitcast_convert_type3A_419, %shift_right_logical3A_421 : vector<16xi32>
      %convert_element_type3A_423 = arith.sitofp %shift_right_logical3A_422 : vector<16xi32> to vector<16xf32>
      %and3A_424 = arith.constant 8388607 : i32
      %and3A_425 = vector.broadcast %and3A_424 : i32 to vector<16xi32>
      %and3A_426 = arith.andi %bitcast_convert_type3A_419, %and3A_425 : vector<16xi32>
      %or3A_427 = arith.constant 1065353216 : i32
      %or3A_428 = vector.broadcast %or3A_427 : i32 to vector<16xi32>
      %or3A_429 = arith.ori %and3A_426, %or3A_428 : vector<16xi32>
      %bitcast_convert_type3A_430 = tpu.bitcast %or3A_429 : vector<16xi32> -> vector<16xf32>
      %sub3A_431 = arith.constant 1.000000e+00 : f32
      %sub3A_432 = vector.broadcast %sub3A_431 : f32 to vector<16xf32>
      %sub3A_433 = arith.subf %bitcast_convert_type3A_430, %sub3A_432 : vector<16xf32>
      %mul3A_434 = arith.mulf %sub3A_433, %sub3A_433 : vector<16xf32>
      %mul3A_435 = arith.mulf %mul3A_434, %mul3A_434 : vector<16xf32>
      %mul3A_436 = arith.constant 1.4426868 : f32
      %mul3A_437 = vector.broadcast %mul3A_436 : f32 to vector<16xf32>
      %mul3A_438 = arith.mulf %mul3A_437, %sub3A_433 : vector<16xf32>
      %add3A_439 = arith.constant 4.88635798E-8 : f32
      %add3A_440 = vector.broadcast %add3A_439 : f32 to vector<16xf32>
      %add3A_441 = arith.addf %add3A_440, %mul3A_438 : vector<16xf32>
      %mul3A_442 = arith.constant 0.478323549 : f32
      %mul3A_443 = vector.broadcast %mul3A_442 : f32 to vector<16xf32>
      %mul3A_444 = arith.mulf %mul3A_443, %sub3A_433 : vector<16xf32>
      %add3A_445 = arith.constant -0.721114635 : f32
      %add3A_446 = vector.broadcast %add3A_445 : f32 to vector<16xf32>
      %add3A_447 = arith.addf %add3A_446, %mul3A_444 : vector<16xf32>
      %mul3A_448 = arith.mulf %add3A_447, %mul3A_434 : vector<16xf32>
      %add3A_449 = arith.addf %add3A_441, %mul3A_448 : vector<16xf32>
      %mul3A_450 = arith.constant 0.239231661 : f32
      %mul3A_451 = vector.broadcast %mul3A_450 : f32 to vector<16xf32>
      %mul3A_452 = arith.mulf %mul3A_451, %sub3A_433 : vector<16xf32>
      %add3A_453 = arith.constant -0.345996022 : f32
      %add3A_454 = vector.broadcast %add3A_453 : f32 to vector<16xf32>
      %add3A_455 = arith.addf %add3A_454, %mul3A_452 : vector<16xf32>
      %mul3A_456 = arith.constant 0.0502775088 : f32
      %mul3A_457 = vector.broadcast %mul3A_456 : f32 to vector<16xf32>
      %mul3A_458 = arith.mulf %mul3A_457, %sub3A_433 : vector<16xf32>
      %add3A_459 = arith.constant -0.134534255 : f32
      %add3A_460 = vector.broadcast %add3A_459 : f32 to vector<16xf32>
      %add3A_461 = arith.addf %add3A_460, %mul3A_458 : vector<16xf32>
      %mul3A_462 = arith.mulf %add3A_461, %mul3A_434 : vector<16xf32>
      %add3A_463 = arith.addf %add3A_455, %mul3A_462 : vector<16xf32>
      %mul3A_464 = arith.constant -0.00887469668 : f32
      %mul3A_465 = vector.broadcast %mul3A_464 : f32 to vector<16xf32>
      %mul3A_466 = arith.mulf %mul3A_465, %mul3A_435 : vector<16xf32>
      %add3A_467 = arith.addf %add3A_463, %mul3A_466 : vector<16xf32>
      %mul3A_468 = arith.mulf %add3A_467, %mul3A_435 : vector<16xf32>
      %add3A_469 = arith.addf %add3A_449, %mul3A_468 : vector<16xf32>
      %add3A_470 = arith.addf %convert_element_type3A_423, %add3A_469 : vector<16xf32>
      %mul3A_471 = arith.constant 3.010300e+00 : f32
      %mul3A_472 = vector.broadcast %mul3A_471 : f32 to vector<16xf32>
      %mul3A_473 = arith.mulf %add3A_470, %mul3A_472 : vector<16xf32>
      %add3A_474 = arith.addf %mul3A_473, %sub3A_209 : vector<16xf32>
      %abs3A_475 = math.absf %add3A_474 : vector<16xf32>
      %jit3A_476 = arith.constant 0.000000e+00 : f32
      %broadcast_in_dim3A_477 = vector.broadcast %jit3A_476 : f32 to vector<16xf32>
      %select_n3A_478 = arith.select %and3A_417, %abs3A_475, %broadcast_in_dim3A_477 : vector<16xi1>, vector<16xf32>
      %add3A_479 = arith.addf %add3A_399, %select_n3A_478 : vector<16xf32>
      %add3A_480 = arith.addi %mul3A_92, %mul3A_241 : i32
      %add3A_481 = arith.constant 48 : i32
      %add3A_482 = arith.addi %add3A_480, %add3A_481 : i32
      %get3A_483 = arith.index_cast %add3A_482 : i32 to index
      %get3A_484 = tpu.vector_load %arg6[%get3A_483] {strides = array<i32>} : memref<8000xf32, #tpu.memory_space<vmem>>, vector<16xf32>,
      %sub3A_485 = arith.subf %add3A_84, %get3A_484 : vector<16xf32>
      %add3A_486 = arith.constant 48 : i32
      %add3A_487 = arith.addi %mul3A_241, %add3A_486 : i32
      %get3A_488 = arith.index_cast %add3A_487 : i32 to index
      %get3A_489 = tpu.vector_load %arg7[%get3A_488] {strides = array<i32>} : memref<4000xf32, #tpu.memory_space<vmem>>, vector<16xf32>,
      %sub3A_490 = arith.subf %get3A_211, %get3A_489 : vector<16xf32>
      %gt3A_491 = arith.constant 0.000000e+00 : f32
      %gt3A_492 = vector.broadcast %gt3A_491 : f32 to vector<16xf32>
      %gt3A_493 = arith.cmpf ogt, %sub3A_485, %gt3A_492 : vector<16xf32>
      %gt3A_494 = arith.constant 0.000000e+00 : f32
      %gt3A_495 = vector.broadcast %gt3A_494 : f32 to vector<16xf32>
      %gt3A_496 = arith.cmpf ogt, %sub3A_490, %gt3A_495 : vector<16xf32>
      %and3A_497 = arith.andi %gt3A_493, %gt3A_496 : vector<16xi1>
      %div3A_498 = arith.divf %sub3A_485, %sub3A_490 : vector<16xf32>
      %bitcast_convert_type3A_499 = tpu.bitcast %div3A_498 : vector<16xf32> -> vector<16xi32>
      %shift_right_logical3A_500 = arith.constant 23 : i32
      %shift_right_logical3A_501 = vector.broadcast %shift_right_logical3A_500 : i32 to vector<16xi32>
      %shift_right_logical3A_502 = arith.shrui %bitcast_convert_type3A_499, %shift_right_logical3A_501 : vector<16xi32>
      %convert_element_type3A_503 = arith.sitofp %shift_right_logical3A_502 : vector<16xi32> to vector<16xf32>
      %and3A_504 = arith.constant 8388607 : i32
      %and3A_505 = vector.broadcast %and3A_504 : i32 to vector<16xi32>
      %and3A_506 = arith.andi %bitcast_convert_type3A_499, %and3A_505 : vector<16xi32>
      %or3A_507 = arith.constant 1065353216 : i32
      %or3A_508 = vector.broadcast %or3A_507 : i32 to vector<16xi32>
      %or3A_509 = arith.ori %and3A_506, %or3A_508 : vector<16xi32>
      %bitcast_convert_type3A_510 = tpu.bitcast %or3A_509 : vector<16xi32> -> vector<16xf32>
      %sub3A_511 = arith.constant 1.000000e+00 : f32
      %sub3A_512 = vector.broadcast %sub3A_511 : f32 to vector<16xf32>
      %sub3A_513 = arith.subf %bitcast_convert_type3A_510, %sub3A_512 : vector<16xf32>
      %mul3A_514 = arith.mulf %sub3A_513, %sub3A_513 : vector<16xf32>
      %mul3A_515 = arith.mulf %mul3A_514, %mul3A_514 : vector<16xf32>
      %mul3A_516 = arith.constant 1.4426868 : f32
      %mul3A_517 = vector.broadcast %mul3A_516 : f32 to vector<16xf32>
      %mul3A_518 = arith.mulf %mul3A_517, %sub3A_513 : vector<16xf32>
      %add3A_519 = arith.constant 4.88635798E-8 : f32
      %add3A_520 = vector.broadcast %add3A_519 : f32 to vector<16xf32>
      %add3A_521 = arith.addf %add3A_520, %mul3A_518 : vector<16xf32>
      %mul3A_522 = arith.constant 0.478323549 : f32
      %mul3A_523 = vector.broadcast %mul3A_522 : f32 to vector<16xf32>
      %mul3A_524 = arith.mulf %mul3A_523, %sub3A_513 : vector<16xf32>
      %add3A_525 = arith.constant -0.721114635 : f32
      %add3A_526 = vector.broadcast %add3A_525 : f32 to vector<16xf32>
      %add3A_527 = arith.addf %add3A_526, %mul3A_524 : vector<16xf32>
      %mul3A_528 = arith.mulf %add3A_527, %mul3A_514 : vector<16xf32>
      %add3A_529 = arith.addf %add3A_521, %mul3A_528 : vector<16xf32>
      %mul3A_530 = arith.constant 0.239231661 : f32
      %mul3A_531 = vector.broadcast %mul3A_530 : f32 to vector<16xf32>
      %mul3A_532 = arith.mulf %mul3A_531, %sub3A_513 : vector<16xf32>
      %add3A_533 = arith.constant -0.345996022 : f32
      %add3A_534 = vector.broadcast %add3A_533 : f32 to vector<16xf32>
      %add3A_535 = arith.addf %add3A_534, %mul3A_532 : vector<16xf32>
      %mul3A_536 = arith.constant 0.0502775088 : f32
      %mul3A_537 = vector.broadcast %mul3A_536 : f32 to vector<16xf32>
      %mul3A_538 = arith.mulf %mul3A_537, %sub3A_513 : vector<16xf32>
      %add3A_539 = arith.constant -0.134534255 : f32
      %add3A_540 = vector.broadcast %add3A_539 : f32 to vector<16xf32>
      %add3A_541 = arith.addf %add3A_540, %mul3A_538 : vector<16xf32>
      %mul3A_542 = arith.mulf %add3A_541, %mul3A_514 : vector<16xf32>
      %add3A_543 = arith.addf %add3A_535, %mul3A_542 : vector<16xf32>
      %mul3A_544 = arith.constant -0.00887469668 : f32
      %mul3A_545 = vector.broadcast %mul3A_544 : f32 to vector<16xf32>
      %mul3A_546 = arith.mulf %mul3A_545, %mul3A_515 : vector<16xf32>
      %add3A_547 = arith.addf %add3A_543, %mul3A_546 : vector<16xf32>
      %mul3A_548 = arith.mulf %add3A_547, %mul3A_515 : vector<16xf32>
      %add3A_549 = arith.addf %add3A_529, %mul3A_548 : vector<16xf32>
      %add3A_550 = arith.addf %convert_element_type3A_503, %add3A_549 : vector<16xf32>
      %mul3A_551 = arith.constant 3.010300e+00 : f32
      %mul3A_552 = vector.broadcast %mul3A_551 : f32 to vector<16xf32>
      %mul3A_553 = arith.mulf %add3A_550, %mul3A_552 : vector<16xf32>
      %add3A_554 = arith.addf %mul3A_553, %sub3A_209 : vector<16xf32>
      %abs3A_555 = math.absf %add3A_554 : vector<16xf32>
      %jit3A_556 = arith.constant 0.000000e+00 : f32
      %broadcast_in_dim3A_557 = vector.broadcast %jit3A_556 : f32 to vector<16xf32>
      %select_n3A_558 = arith.select %and3A_497, %abs3A_555, %broadcast_in_dim3A_557 : vector<16xi1>, vector<16xf32>
      %add3A_559 = arith.addf %add3A_479, %select_n3A_558 : vector<16xf32>
      %add3A_560 = arith.addi %mul3A_92, %mul3A_241 : i32
      %add3A_561 = arith.constant 64 : i32
      %add3A_562 = arith.addi %add3A_560, %add3A_561 : i32
      %get3A_563 = arith.index_cast %add3A_562 : i32 to index
      %get3A_564 = tpu.vector_load %arg6[%get3A_563] {strides = array<i32>} : memref<8000xf32, #tpu.memory_space<vmem>>, vector<16xf32>,
      %sub3A_565 = arith.subf %add3A_84, %get3A_564 : vector<16xf32>
      %add3A_566 = arith.constant 64 : i32
      %add3A_567 = arith.addi %mul3A_241, %add3A_566 : i32
      %get3A_568 = arith.index_cast %add3A_567 : i32 to index
      %get3A_569 = tpu.vector_load %arg7[%get3A_568] {strides = array<i32>} : memref<4000xf32, #tpu.memory_space<vmem>>, vector<16xf32>,
      %sub3A_570 = arith.subf %get3A_211, %get3A_569 : vector<16xf32>
      %gt3A_571 = arith.constant 0.000000e+00 : f32
      %gt3A_572 = vector.broadcast %gt3A_571 : f32 to vector<16xf32>
      %gt3A_573 = arith.cmpf ogt, %sub3A_565, %gt3A_572 : vector<16xf32>
      %gt3A_574 = arith.constant 0.000000e+00 : f32
      %gt3A_575 = vector.broadcast %gt3A_574 : f32 to vector<16xf32>
      %gt3A_576 = arith.cmpf ogt, %sub3A_570, %gt3A_575 : vector<16xf32>
      %and3A_577 = arith.andi %gt3A_573, %gt3A_576 : vector<16xi1>
      %div3A_578 = arith.divf %sub3A_565, %sub3A_570 : vector<16xf32>
      %bitcast_convert_type3A_579 = tpu.bitcast %div3A_578 : vector<16xf32> -> vector<16xi32>
      %shift_right_logical3A_580 = arith.constant 23 : i32
      %shift_right_logical3A_581 = vector.broadcast %shift_right_logical3A_580 : i32 to vector<16xi32>
      %shift_right_logical3A_582 = arith.shrui %bitcast_convert_type3A_579, %shift_right_logical3A_581 : vector<16xi32>
      %convert_element_type3A_583 = arith.sitofp %shift_right_logical3A_582 : vector<16xi32> to vector<16xf32>
      %and3A_584 = arith.constant 8388607 : i32
      %and3A_585 = vector.broadcast %and3A_584 : i32 to vector<16xi32>
      %and3A_586 = arith.andi %bitcast_convert_type3A_579, %and3A_585 : vector<16xi32>
      %or3A_587 = arith.constant 1065353216 : i32
      %or3A_588 = vector.broadcast %or3A_587 : i32 to vector<16xi32>
      %or3A_589 = arith.ori %and3A_586, %or3A_588 : vector<16xi32>
      %bitcast_convert_type3A_590 = tpu.bitcast %or3A_589 : vector<16xi32> -> vector<16xf32>
      %sub3A_591 = arith.constant 1.000000e+00 : f32
      %sub3A_592 = vector.broadcast %sub3A_591 : f32 to vector<16xf32>
      %sub3A_593 = arith.subf %bitcast_convert_type3A_590, %sub3A_592 : vector<16xf32>
      %mul3A_594 = arith.mulf %sub3A_593, %sub3A_593 : vector<16xf32>
      %mul3A_595 = arith.mulf %mul3A_594, %mul3A_594 : vector<16xf32>
      %mul3A_596 = arith.constant 1.4426868 : f32
      %mul3A_597 = vector.broadcast %mul3A_596 : f32 to vector<16xf32>
      %mul3A_598 = arith.mulf %mul3A_597, %sub3A_593 : vector<16xf32>
      %add3A_599 = arith.constant 4.88635798E-8 : f32
      %add3A_600 = vector.broadcast %add3A_599 : f32 to vector<16xf32>
      %add3A_601 = arith.addf %add3A_600, %mul3A_598 : vector<16xf32>
      %mul3A_602 = arith.constant 0.478323549 : f32
      %mul3A_603 = vector.broadcast %mul3A_602 : f32 to vector<16xf32>
      %mul3A_604 = arith.mulf %mul3A_603, %sub3A_593 : vector<16xf32>
      %add3A_605 = arith.constant -0.721114635 : f32
      %add3A_606 = vector.broadcast %add3A_605 : f32 to vector<16xf32>
      %add3A_607 = arith.addf %add3A_606, %mul3A_604 : vector<16xf32>
      %mul3A_608 = arith.mulf %add3A_607, %mul3A_594 : vector<16xf32>
      %add3A_609 = arith.addf %add3A_601, %mul3A_608 : vector<16xf32>
      %mul3A_610 = arith.constant 0.239231661 : f32
      %mul3A_611 = vector.broadcast %mul3A_610 : f32 to vector<16xf32>
      %mul3A_612 = arith.mulf %mul3A_611, %sub3A_593 : vector<16xf32>
      %add3A_613 = arith.constant -0.345996022 : f32
      %add3A_614 = vector.broadcast %add3A_613 : f32 to vector<16xf32>
      %add3A_615 = arith.addf %add3A_614, %mul3A_612 : vector<16xf32>
      %mul3A_616 = arith.constant 0.0502775088 : f32
      %mul3A_617 = vector.broadcast %mul3A_616 : f32 to vector<16xf32>
      %mul3A_618 = arith.mulf %mul3A_617, %sub3A_593 : vector<16xf32>
      %add3A_619 = arith.constant -0.134534255 : f32
      %add3A_620 = vector.broadcast %add3A_619 : f32 to vector<16xf32>
      %add3A_621 = arith.addf %add3A_620, %mul3A_618 : vector<16xf32>
      %mul3A_622 = arith.mulf %add3A_621, %mul3A_594 : vector<16xf32>
      %add3A_623 = arith.addf %add3A_615, %mul3A_622 : vector<16xf32>
      %mul3A_624 = arith.constant -0.00887469668 : f32
      %mul3A_625 = vector.broadcast %mul3A_624 : f32 to vector<16xf32>
      %mul3A_626 = arith.mulf %mul3A_625, %mul3A_595 : vector<16xf32>
      %add3A_627 = arith.addf %add3A_623, %mul3A_626 : vector<16xf32>
      %mul3A_628 = arith.mulf %add3A_627, %mul3A_595 : vector<16xf32>
      %add3A_629 = arith.addf %add3A_609, %mul3A_628 : vector<16xf32>
      %add3A_630 = arith.addf %convert_element_type3A_583, %add3A_629 : vector<16xf32>
      %mul3A_631 = arith.constant 3.010300e+00 : f32
      %mul3A_632 = vector.broadcast %mul3A_631 : f32 to vector<16xf32>
      %mul3A_633 = arith.mulf %add3A_630, %mul3A_632 : vector<16xf32>
      %add3A_634 = arith.addf %mul3A_633, %sub3A_209 : vector<16xf32>
      %abs3A_635 = math.absf %add3A_634 : vector<16xf32>
      %jit3A_636 = arith.constant 0.000000e+00 : f32
      %broadcast_in_dim3A_637 = vector.broadcast %jit3A_636 : f32 to vector<16xf32>
      %select_n3A_638 = arith.select %and3A_577, %abs3A_635, %broadcast_in_dim3A_637 : vector<16xi1>, vector<16xf32>
      %add3A_639 = arith.addf %add3A_559, %select_n3A_638 : vector<16xf32>
      %add3A_640 = arith.addi %mul3A_92, %mul3A_241 : i32
      %add3A_641 = arith.constant 80 : i32
      %add3A_642 = arith.addi %add3A_640, %add3A_641 : i32
      %get3A_643 = arith.index_cast %add3A_642 : i32 to index
      %get3A_644 = tpu.vector_load %arg6[%get3A_643] {strides = array<i32>} : memref<8000xf32, #tpu.memory_space<vmem>>, vector<16xf32>,
      %sub3A_645 = arith.subf %add3A_84, %get3A_644 : vector<16xf32>
      %add3A_646 = arith.constant 80 : i32
      %add3A_647 = arith.addi %mul3A_241, %add3A_646 : i32
      %get3A_648 = arith.index_cast %add3A_647 : i32 to index
      %get3A_649 = tpu.vector_load %arg7[%get3A_648] {strides = array<i32>} : memref<4000xf32, #tpu.memory_space<vmem>>, vector<16xf32>,
      %sub3A_650 = arith.subf %get3A_211, %get3A_649 : vector<16xf32>
      %gt3A_651 = arith.constant 0.000000e+00 : f32
      %gt3A_652 = vector.broadcast %gt3A_651 : f32 to vector<16xf32>
      %gt3A_653 = arith.cmpf ogt, %sub3A_645, %gt3A_652 : vector<16xf32>
      %gt3A_654 = arith.constant 0.000000e+00 : f32
      %gt3A_655 = vector.broadcast %gt3A_654 : f32 to vector<16xf32>
      %gt3A_656 = arith.cmpf ogt, %sub3A_650, %gt3A_655 : vector<16xf32>
      %and3A_657 = arith.andi %gt3A_653, %gt3A_656 : vector<16xi1>
      %div3A_658 = arith.divf %sub3A_645, %sub3A_650 : vector<16xf32>
      %bitcast_convert_type3A_659 = tpu.bitcast %div3A_658 : vector<16xf32> -> vector<16xi32>
      %shift_right_logical3A_660 = arith.constant 23 : i32
      %shift_right_logical3A_661 = vector.broadcast %shift_right_logical3A_660 : i32 to vector<16xi32>
      %shift_right_logical3A_662 = arith.shrui %bitcast_convert_type3A_659, %shift_right_logical3A_661 : vector<16xi32>
      %convert_element_type3A_663 = arith.sitofp %shift_right_logical3A_662 : vector<16xi32> to vector<16xf32>
      %and3A_664 = arith.constant 8388607 : i32
      %and3A_665 = vector.broadcast %and3A_664 : i32 to vector<16xi32>
      %and3A_666 = arith.andi %bitcast_convert_type3A_659, %and3A_665 : vector<16xi32>
      %or3A_667 = arith.constant 1065353216 : i32
      %or3A_668 = vector.broadcast %or3A_667 : i32 to vector<16xi32>
      %or3A_669 = arith.ori %and3A_666, %or3A_668 : vector<16xi32>
      %bitcast_convert_type3A_670 = tpu.bitcast %or3A_669 : vector<16xi32> -> vector<16xf32>
      %sub3A_671 = arith.constant 1.000000e+00 : f32
      %sub3A_672 = vector.broadcast %sub3A_671 : f32 to vector<16xf32>
      %sub3A_673 = arith.subf %bitcast_convert_type3A_670, %sub3A_672 : vector<16xf32>
      %mul3A_674 = arith.mulf %sub3A_673, %sub3A_673 : vector<16xf32>
      %mul3A_675 = arith.mulf %mul3A_674, %mul3A_674 : vector<16xf32>
      %mul3A_676 = arith.constant 1.4426868 : f32
      %mul3A_677 = vector.broadcast %mul3A_676 : f32 to vector<16xf32>
      %mul3A_678 = arith.mulf %mul3A_677, %sub3A_673 : vector<16xf32>
      %add3A_679 = arith.constant 4.88635798E-8 : f32
      %add3A_680 = vector.broadcast %add3A_679 : f32 to vector<16xf32>
      %add3A_681 = arith.addf %add3A_680, %mul3A_678 : vector<16xf32>
      %mul3A_682 = arith.constant 0.478323549 : f32
      %mul3A_683 = vector.broadcast %mul3A_682 : f32 to vector<16xf32>
      %mul3A_684 = arith.mulf %mul3A_683, %sub3A_673 : vector<16xf32>
      %add3A_685 = arith.constant -0.721114635 : f32
      %add3A_686 = vector.broadcast %add3A_685 : f32 to vector<16xf32>
      %add3A_687 = arith.addf %add3A_686, %mul3A_684 : vector<16xf32>
      %mul3A_688 = arith.mulf %add3A_687, %mul3A_674 : vector<16xf32>
      %add3A_689 = arith.addf %add3A_681, %mul3A_688 : vector<16xf32>
      %mul3A_690 = arith.constant 0.239231661 : f32
      %mul3A_691 = vector.broadcast %mul3A_690 : f32 to vector<16xf32>
      %mul3A_692 = arith.mulf %mul3A_691, %sub3A_673 : vector<16xf32>
      %add3A_693 = arith.constant -0.345996022 : f32
      %add3A_694 = vector.broadcast %add3A_693 : f32 to vector<16xf32>
      %add3A_695 = arith.addf %add3A_694, %mul3A_692 : vector<16xf32>
      %mul3A_696 = arith.constant 0.0502775088 : f32
      %mul3A_697 = vector.broadcast %mul3A_696 : f32 to vector<16xf32>
      %mul3A_698 = arith.mulf %mul3A_697, %sub3A_673 : vector<16xf32>
      %add3A_699 = arith.constant -0.134534255 : f32
      %add3A_700 = vector.broadcast %add3A_699 : f32 to vector<16xf32>
      %add3A_701 = arith.addf %add3A_700, %mul3A_698 : vector<16xf32>
      %mul3A_702 = arith.mulf %add3A_701, %mul3A_674 : vector<16xf32>
      %add3A_703 = arith.addf %add3A_695, %mul3A_702 : vector<16xf32>
      %mul3A_704 = arith.constant -0.00887469668 : f32
      %mul3A_705 = vector.broadcast %mul3A_704 : f32 to vector<16xf32>
      %mul3A_706 = arith.mulf %mul3A_705, %mul3A_675 : vector<16xf32>
      %add3A_707 = arith.addf %add3A_703, %mul3A_706 : vector<16xf32>
      %mul3A_708 = arith.mulf %add3A_707, %mul3A_675 : vector<16xf32>
      %add3A_709 = arith.addf %add3A_689, %mul3A_708 : vector<16xf32>
      %add3A_710 = arith.addf %convert_element_type3A_663, %add3A_709 : vector<16xf32>
      %mul3A_711 = arith.constant 3.010300e+00 : f32
      %mul3A_712 = vector.broadcast %mul3A_711 : f32 to vector<16xf32>
      %mul3A_713 = arith.mulf %add3A_710, %mul3A_712 : vector<16xf32>
      %add3A_714 = arith.addf %mul3A_713, %sub3A_209 : vector<16xf32>
      %abs3A_715 = math.absf %add3A_714 : vector<16xf32>
      %jit3A_716 = arith.constant 0.000000e+00 : f32
      %broadcast_in_dim3A_717 = vector.broadcast %jit3A_716 : f32 to vector<16xf32>
      %select_n3A_718 = arith.select %and3A_657, %abs3A_715, %broadcast_in_dim3A_717 : vector<16xi1>, vector<16xf32>
      %add3A_719 = arith.addf %add3A_639, %select_n3A_718 : vector<16xf32>
      %add3A_720 = arith.addi %mul3A_92, %mul3A_241 : i32
      %add3A_721 = arith.constant 96 : i32
      %add3A_722 = arith.addi %add3A_720, %add3A_721 : i32
      %get3A_723 = arith.index_cast %add3A_722 : i32 to index
      %get3A_724 = tpu.vector_load %arg6[%get3A_723] {strides = array<i32>} : memref<8000xf32, #tpu.memory_space<vmem>>, vector<16xf32>,
      %sub3A_725 = arith.subf %add3A_84, %get3A_724 : vector<16xf32>
      %add3A_726 = arith.constant 96 : i32
      %add3A_727 = arith.addi %mul3A_241, %add3A_726 : i32
      %get3A_728 = arith.index_cast %add3A_727 : i32 to index
      %get3A_729 = tpu.vector_load %arg7[%get3A_728] {strides = array<i32>} : memref<4000xf32, #tpu.memory_space<vmem>>, vector<16xf32>,
      %sub3A_730 = arith.subf %get3A_211, %get3A_729 : vector<16xf32>
      %gt3A_731 = arith.constant 0.000000e+00 : f32
      %gt3A_732 = vector.broadcast %gt3A_731 : f32 to vector<16xf32>
      %gt3A_733 = arith.cmpf ogt, %sub3A_725, %gt3A_732 : vector<16xf32>
      %gt3A_734 = arith.constant 0.000000e+00 : f32
      %gt3A_735 = vector.broadcast %gt3A_734 : f32 to vector<16xf32>
      %gt3A_736 = arith.cmpf ogt, %sub3A_730, %gt3A_735 : vector<16xf32>
      %and3A_737 = arith.andi %gt3A_733, %gt3A_736 : vector<16xi1>
      %div3A_738 = arith.divf %sub3A_725, %sub3A_730 : vector<16xf32>
      %bitcast_convert_type3A_739 = tpu.bitcast %div3A_738 : vector<16xf32> -> vector<16xi32>
      %shift_right_logical3A_740 = arith.constant 23 : i32
      %shift_right_logical3A_741 = vector.broadcast %shift_right_logical3A_740 : i32 to vector<16xi32>
      %shift_right_logical3A_742 = arith.shrui %bitcast_convert_type3A_739, %shift_right_logical3A_741 : vector<16xi32>
      %convert_element_type3A_743 = arith.sitofp %shift_right_logical3A_742 : vector<16xi32> to vector<16xf32>
      %and3A_744 = arith.constant 8388607 : i32
      %and3A_745 = vector.broadcast %and3A_744 : i32 to vector<16xi32>
      %and3A_746 = arith.andi %bitcast_convert_type3A_739, %and3A_745 : vector<16xi32>
      %or3A_747 = arith.constant 1065353216 : i32
      %or3A_748 = vector.broadcast %or3A_747 : i32 to vector<16xi32>
      %or3A_749 = arith.ori %and3A_746, %or3A_748 : vector<16xi32>
      %bitcast_convert_type3A_750 = tpu.bitcast %or3A_749 : vector<16xi32> -> vector<16xf32>
      %sub3A_751 = arith.constant 1.000000e+00 : f32
      %sub3A_752 = vector.broadcast %sub3A_751 : f32 to vector<16xf32>
      %sub3A_753 = arith.subf %bitcast_convert_type3A_750, %sub3A_752 : vector<16xf32>
      %mul3A_754 = arith.mulf %sub3A_753, %sub3A_753 : vector<16xf32>
      %mul3A_755 = arith.mulf %mul3A_754, %mul3A_754 : vector<16xf32>
      %mul3A_756 = arith.constant 1.4426868 : f32
      %mul3A_757 = vector.broadcast %mul3A_756 : f32 to vector<16xf32>
      %mul3A_758 = arith.mulf %mul3A_757, %sub3A_753 : vector<16xf32>
      %add3A_759 = arith.constant 4.88635798E-8 : f32
      %add3A_760 = vector.broadcast %add3A_759 : f32 to vector<16xf32>
      %add3A_761 = arith.addf %add3A_760, %mul3A_758 : vector<16xf32>
      %mul3A_762 = arith.constant 0.478323549 : f32
      %mul3A_763 = vector.broadcast %mul3A_762 : f32 to vector<16xf32>
      %mul3A_764 = arith.mulf %mul3A_763, %sub3A_753 : vector<16xf32>
      %add3A_765 = arith.constant -0.721114635 : f32
      %add3A_766 = vector.broadcast %add3A_765 : f32 to vector<16xf32>
      %add3A_767 = arith.addf %add3A_766, %mul3A_764 : vector<16xf32>
      %mul3A_768 = arith.mulf %add3A_767, %mul3A_754 : vector<16xf32>
      %add3A_769 = arith.addf %add3A_761, %mul3A_768 : vector<16xf32>
      %mul3A_770 = arith.constant 0.239231661 : f32
      %mul3A_771 = vector.broadcast %mul3A_770 : f32 to vector<16xf32>
      %mul3A_772 = arith.mulf %mul3A_771, %sub3A_753 : vector<16xf32>
      %add3A_773 = arith.constant -0.345996022 : f32
      %add3A_774 = vector.broadcast %add3A_773 : f32 to vector<16xf32>
      %add3A_775 = arith.addf %add3A_774, %mul3A_772 : vector<16xf32>
      %mul3A_776 = arith.constant 0.0502775088 : f32
      %mul3A_777 = vector.broadcast %mul3A_776 : f32 to vector<16xf32>
      %mul3A_778 = arith.mulf %mul3A_777, %sub3A_753 : vector<16xf32>
      %add3A_779 = arith.constant -0.134534255 : f32
      %add3A_780 = vector.broadcast %add3A_779 : f32 to vector<16xf32>
      %add3A_781 = arith.addf %add3A_780, %mul3A_778 : vector<16xf32>
      %mul3A_782 = arith.mulf %add3A_781, %mul3A_754 : vector<16xf32>
      %add3A_783 = arith.addf %add3A_775, %mul3A_782 : vector<16xf32>
      %mul3A_784 = arith.constant -0.00887469668 : f32
      %mul3A_785 = vector.broadcast %mul3A_784 : f32 to vector<16xf32>
      %mul3A_786 = arith.mulf %mul3A_785, %mul3A_755 : vector<16xf32>
      %add3A_787 = arith.addf %add3A_783, %mul3A_786 : vector<16xf32>
      %mul3A_788 = arith.mulf %add3A_787, %mul3A_755 : vector<16xf32>
      %add3A_789 = arith.addf %add3A_769, %mul3A_788 : vector<16xf32>
      %add3A_790 = arith.addf %convert_element_type3A_743, %add3A_789 : vector<16xf32>
      %mul3A_791 = arith.constant 3.010300e+00 : f32
      %mul3A_792 = vector.broadcast %mul3A_791 : f32 to vector<16xf32>
      %mul3A_793 = arith.mulf %add3A_790, %mul3A_792 : vector<16xf32>
      %add3A_794 = arith.addf %mul3A_793, %sub3A_209 : vector<16xf32>
      %abs3A_795 = math.absf %add3A_794 : vector<16xf32>
      %jit3A_796 = arith.constant 0.000000e+00 : f32
      %broadcast_in_dim3A_797 = vector.broadcast %jit3A_796 : f32 to vector<16xf32>
      %select_n3A_798 = arith.select %and3A_737, %abs3A_795, %broadcast_in_dim3A_797 : vector<16xi1>, vector<16xf32>
      %add3A_799 = arith.addf %add3A_719, %select_n3A_798 : vector<16xf32>
      %add3A_800 = arith.addi %mul3A_92, %mul3A_241 : i32
      %add3A_801 = arith.constant 112 : i32
      %add3A_802 = arith.addi %add3A_800, %add3A_801 : i32
      %get3A_803 = arith.index_cast %add3A_802 : i32 to index
      %get3A_804 = tpu.vector_load %arg6[%get3A_803] {strides = array<i32>} : memref<8000xf32, #tpu.memory_space<vmem>>, vector<16xf32>,
      %sub3A_805 = arith.subf %add3A_84, %get3A_804 : vector<16xf32>
      %add3A_806 = arith.constant 112 : i32
      %add3A_807 = arith.addi %mul3A_241, %add3A_806 : i32
      %get3A_808 = arith.index_cast %add3A_807 : i32 to index
      %get3A_809 = tpu.vector_load %arg7[%get3A_808] {strides = array<i32>} : memref<4000xf32, #tpu.memory_space<vmem>>, vector<16xf32>,
      %sub3A_810 = arith.subf %get3A_211, %get3A_809 : vector<16xf32>
      %gt3A_811 = arith.constant 0.000000e+00 : f32
      %gt3A_812 = vector.broadcast %gt3A_811 : f32 to vector<16xf32>
      %gt3A_813 = arith.cmpf ogt, %sub3A_805, %gt3A_812 : vector<16xf32>
      %gt3A_814 = arith.constant 0.000000e+00 : f32
      %gt3A_815 = vector.broadcast %gt3A_814 : f32 to vector<16xf32>
      %gt3A_816 = arith.cmpf ogt, %sub3A_810, %gt3A_815 : vector<16xf32>
      %and3A_817 = arith.andi %gt3A_813, %gt3A_816 : vector<16xi1>
      %div3A_818 = arith.divf %sub3A_805, %sub3A_810 : vector<16xf32>
      %bitcast_convert_type3A_819 = tpu.bitcast %div3A_818 : vector<16xf32> -> vector<16xi32>
      %shift_right_logical3A_820 = arith.constant 23 : i32
      %shift_right_logical3A_821 = vector.broadcast %shift_right_logical3A_820 : i32 to vector<16xi32>
      %shift_right_logical3A_822 = arith.shrui %bitcast_convert_type3A_819, %shift_right_logical3A_821 : vector<16xi32>
      %convert_element_type3A_823 = arith.sitofp %shift_right_logical3A_822 : vector<16xi32> to vector<16xf32>
      %and3A_824 = arith.constant 8388607 : i32
      %and3A_825 = vector.broadcast %and3A_824 : i32 to vector<16xi32>
      %and3A_826 = arith.andi %bitcast_convert_type3A_819, %and3A_825 : vector<16xi32>
      %or3A_827 = arith.constant 1065353216 : i32
      %or3A_828 = vector.broadcast %or3A_827 : i32 to vector<16xi32>
      %or3A_829 = arith.ori %and3A_826, %or3A_828 : vector<16xi32>
      %bitcast_convert_type3A_830 = tpu.bitcast %or3A_829 : vector<16xi32> -> vector<16xf32>
      %sub3A_831 = arith.constant 1.000000e+00 : f32
      %sub3A_832 = vector.broadcast %sub3A_831 : f32 to vector<16xf32>
      %sub3A_833 = arith.subf %bitcast_convert_type3A_830, %sub3A_832 : vector<16xf32>
      %mul3A_834 = arith.mulf %sub3A_833, %sub3A_833 : vector<16xf32>
      %mul3A_835 = arith.mulf %mul3A_834, %mul3A_834 : vector<16xf32>
      %mul3A_836 = arith.constant 1.4426868 : f32
      %mul3A_837 = vector.broadcast %mul3A_836 : f32 to vector<16xf32>
      %mul3A_838 = arith.mulf %mul3A_837, %sub3A_833 : vector<16xf32>
      %add3A_839 = arith.constant 4.88635798E-8 : f32
      %add3A_840 = vector.broadcast %add3A_839 : f32 to vector<16xf32>
      %add3A_841 = arith.addf %add3A_840, %mul3A_838 : vector<16xf32>
      %mul3A_842 = arith.constant 0.478323549 : f32
      %mul3A_843 = vector.broadcast %mul3A_842 : f32 to vector<16xf32>
      %mul3A_844 = arith.mulf %mul3A_843, %sub3A_833 : vector<16xf32>
      %add3A_845 = arith.constant -0.721114635 : f32
      %add3A_846 = vector.broadcast %add3A_845 : f32 to vector<16xf32>
      %add3A_847 = arith.addf %add3A_846, %mul3A_844 : vector<16xf32>
      %mul3A_848 = arith.mulf %add3A_847, %mul3A_834 : vector<16xf32>
      %add3A_849 = arith.addf %add3A_841, %mul3A_848 : vector<16xf32>
      %mul3A_850 = arith.constant 0.239231661 : f32
      %mul3A_851 = vector.broadcast %mul3A_850 : f32 to vector<16xf32>
      %mul3A_852 = arith.mulf %mul3A_851, %sub3A_833 : vector<16xf32>
      %add3A_853 = arith.constant -0.345996022 : f32
      %add3A_854 = vector.broadcast %add3A_853 : f32 to vector<16xf32>
      %add3A_855 = arith.addf %add3A_854, %mul3A_852 : vector<16xf32>
      %mul3A_856 = arith.constant 0.0502775088 : f32
      %mul3A_857 = vector.broadcast %mul3A_856 : f32 to vector<16xf32>
      %mul3A_858 = arith.mulf %mul3A_857, %sub3A_833 : vector<16xf32>
      %add3A_859 = arith.constant -0.134534255 : f32
      %add3A_860 = vector.broadcast %add3A_859 : f32 to vector<16xf32>
      %add3A_861 = arith.addf %add3A_860, %mul3A_858 : vector<16xf32>
      %mul3A_862 = arith.mulf %add3A_861, %mul3A_834 : vector<16xf32>
      %add3A_863 = arith.addf %add3A_855, %mul3A_862 : vector<16xf32>
      %mul3A_864 = arith.constant -0.00887469668 : f32
      %mul3A_865 = vector.broadcast %mul3A_864 : f32 to vector<16xf32>
      %mul3A_866 = arith.mulf %mul3A_865, %mul3A_835 : vector<16xf32>
      %add3A_867 = arith.addf %add3A_863, %mul3A_866 : vector<16xf32>
      %mul3A_868 = arith.mulf %add3A_867, %mul3A_835 : vector<16xf32>
      %add3A_869 = arith.addf %add3A_849, %mul3A_868 : vector<16xf32>
      %add3A_870 = arith.addf %convert_element_type3A_823, %add3A_869 : vector<16xf32>
      %mul3A_871 = arith.constant 3.010300e+00 : f32
      %mul3A_872 = vector.broadcast %mul3A_871 : f32 to vector<16xf32>
      %mul3A_873 = arith.mulf %add3A_870, %mul3A_872 : vector<16xf32>
      %add3A_874 = arith.addf %mul3A_873, %sub3A_209 : vector<16xf32>
      %abs3A_875 = math.absf %add3A_874 : vector<16xf32>
      %jit3A_876 = arith.constant 0.000000e+00 : f32
      %broadcast_in_dim3A_877 = vector.broadcast %jit3A_876 : f32 to vector<16xf32>
      %select_n3A_878 = arith.select %and3A_817, %abs3A_875, %broadcast_in_dim3A_877 : vector<16xi1>, vector<16xf32>
      %add3A_879 = arith.addf %add3A_799, %select_n3A_878 : vector<16xf32>
      %add3A_880 = arith.addi %mul3A_92, %mul3A_241 : i32
      %add3A_881 = arith.constant 128 : i32
      %add3A_882 = arith.addi %add3A_880, %add3A_881 : i32
      %get3A_883 = arith.index_cast %add3A_882 : i32 to index
      %get3A_884 = tpu.vector_load %arg6[%get3A_883] {strides = array<i32>} : memref<8000xf32, #tpu.memory_space<vmem>>, vector<16xf32>,
      %sub3A_885 = arith.subf %add3A_84, %get3A_884 : vector<16xf32>
      %add3A_886 = arith.constant 128 : i32
      %add3A_887 = arith.addi %mul3A_241, %add3A_886 : i32
      %get3A_888 = arith.index_cast %add3A_887 : i32 to index
      %get3A_889 = tpu.vector_load %arg7[%get3A_888] {strides = array<i32>} : memref<4000xf32, #tpu.memory_space<vmem>>, vector<16xf32>,
      %sub3A_890 = arith.subf %get3A_211, %get3A_889 : vector<16xf32>
      %gt3A_891 = arith.constant 0.000000e+00 : f32
      %gt3A_892 = vector.broadcast %gt3A_891 : f32 to vector<16xf32>
      %gt3A_893 = arith.cmpf ogt, %sub3A_885, %gt3A_892 : vector<16xf32>
      %gt3A_894 = arith.constant 0.000000e+00 : f32
      %gt3A_895 = vector.broadcast %gt3A_894 : f32 to vector<16xf32>
      %gt3A_896 = arith.cmpf ogt, %sub3A_890, %gt3A_895 : vector<16xf32>
      %and3A_897 = arith.andi %gt3A_893, %gt3A_896 : vector<16xi1>
      %div3A_898 = arith.divf %sub3A_885, %sub3A_890 : vector<16xf32>
      %bitcast_convert_type3A_899 = tpu.bitcast %div3A_898 : vector<16xf32> -> vector<16xi32>
      %shift_right_logical3A_900 = arith.constant 23 : i32
      %shift_right_logical3A_901 = vector.broadcast %shift_right_logical3A_900 : i32 to vector<16xi32>
      %shift_right_logical3A_902 = arith.shrui %bitcast_convert_type3A_899, %shift_right_logical3A_901 : vector<16xi32>
      %convert_element_type3A_903 = arith.sitofp %shift_right_logical3A_902 : vector<16xi32> to vector<16xf32>
      %and3A_904 = arith.constant 8388607 : i32
      %and3A_905 = vector.broadcast %and3A_904 : i32 to vector<16xi32>
      %and3A_906 = arith.andi %bitcast_convert_type3A_899, %and3A_905 : vector<16xi32>
      %or3A_907 = arith.constant 1065353216 : i32
      %or3A_908 = vector.broadcast %or3A_907 : i32 to vector<16xi32>
      %or3A_909 = arith.ori %and3A_906, %or3A_908 : vector<16xi32>
      %bitcast_convert_type3A_910 = tpu.bitcast %or3A_909 : vector<16xi32> -> vector<16xf32>
      %sub3A_911 = arith.constant 1.000000e+00 : f32
      %sub3A_912 = vector.broadcast %sub3A_911 : f32 to vector<16xf32>
      %sub3A_913 = arith.subf %bitcast_convert_type3A_910, %sub3A_912 : vector<16xf32>
      %mul3A_914 = arith.mulf %sub3A_913, %sub3A_913 : vector<16xf32>
      %mul3A_915 = arith.mulf %mul3A_914, %mul3A_914 : vector<16xf32>
      %mul3A_916 = arith.constant 1.4426868 : f32
      %mul3A_917 = vector.broadcast %mul3A_916 : f32 to vector<16xf32>
      %mul3A_918 = arith.mulf %mul3A_917, %sub3A_913 : vector<16xf32>
      %add3A_919 = arith.constant 4.88635798E-8 : f32
      %add3A_920 = vector.broadcast %add3A_919 : f32 to vector<16xf32>
      %add3A_921 = arith.addf %add3A_920, %mul3A_918 : vector<16xf32>
      %mul3A_922 = arith.constant 0.478323549 : f32
      %mul3A_923 = vector.broadcast %mul3A_922 : f32 to vector<16xf32>
      %mul3A_924 = arith.mulf %mul3A_923, %sub3A_913 : vector<16xf32>
      %add3A_925 = arith.constant -0.721114635 : f32
      %add3A_926 = vector.broadcast %add3A_925 : f32 to vector<16xf32>
      %add3A_927 = arith.addf %add3A_926, %mul3A_924 : vector<16xf32>
      %mul3A_928 = arith.mulf %add3A_927, %mul3A_914 : vector<16xf32>
      %add3A_929 = arith.addf %add3A_921, %mul3A_928 : vector<16xf32>
      %mul3A_930 = arith.constant 0.239231661 : f32
      %mul3A_931 = vector.broadcast %mul3A_930 : f32 to vector<16xf32>
      %mul3A_932 = arith.mulf %mul3A_931, %sub3A_913 : vector<16xf32>
      %add3A_933 = arith.constant -0.345996022 : f32
      %add3A_934 = vector.broadcast %add3A_933 : f32 to vector<16xf32>
      %add3A_935 = arith.addf %add3A_934, %mul3A_932 : vector<16xf32>
      %mul3A_936 = arith.constant 0.0502775088 : f32
      %mul3A_937 = vector.broadcast %mul3A_936 : f32 to vector<16xf32>
      %mul3A_938 = arith.mulf %mul3A_937, %sub3A_913 : vector<16xf32>
      %add3A_939 = arith.constant -0.134534255 : f32
      %add3A_940 = vector.broadcast %add3A_939 : f32 to vector<16xf32>
      %add3A_941 = arith.addf %add3A_940, %mul3A_938 : vector<16xf32>
      %mul3A_942 = arith.mulf %add3A_941, %mul3A_914 : vector<16xf32>
      %add3A_943 = arith.addf %add3A_935, %mul3A_942 : vector<16xf32>
      %mul3A_944 = arith.constant -0.00887469668 : f32
      %mul3A_945 = vector.broadcast %mul3A_944 : f32 to vector<16xf32>
      %mul3A_946 = arith.mulf %mul3A_945, %mul3A_915 : vector<16xf32>
      %add3A_947 = arith.addf %add3A_943, %mul3A_946 : vector<16xf32>
      %mul3A_948 = arith.mulf %add3A_947, %mul3A_915 : vector<16xf32>
      %add3A_949 = arith.addf %add3A_929, %mul3A_948 : vector<16xf32>
      %add3A_950 = arith.addf %convert_element_type3A_903, %add3A_949 : vector<16xf32>
      %mul3A_951 = arith.constant 3.010300e+00 : f32
      %mul3A_952 = vector.broadcast %mul3A_951 : f32 to vector<16xf32>
      %mul3A_953 = arith.mulf %add3A_950, %mul3A_952 : vector<16xf32>
      %add3A_954 = arith.addf %mul3A_953, %sub3A_209 : vector<16xf32>
      %abs3A_955 = math.absf %add3A_954 : vector<16xf32>
      %jit3A_956 = arith.constant 0.000000e+00 : f32
      %broadcast_in_dim3A_957 = vector.broadcast %jit3A_956 : f32 to vector<16xf32>
      %select_n3A_958 = arith.select %and3A_897, %abs3A_955, %broadcast_in_dim3A_957 : vector<16xi1>, vector<16xf32>
      %add3A_959 = arith.addf %add3A_879, %select_n3A_958 : vector<16xf32>
      %add3A_960 = arith.addi %mul3A_92, %mul3A_241 : i32
      %add3A_961 = arith.constant 144 : i32
      %add3A_962 = arith.addi %add3A_960, %add3A_961 : i32
      %get3A_963 = arith.index_cast %add3A_962 : i32 to index
      %get3A_964 = tpu.vector_load %arg6[%get3A_963] {strides = array<i32>} : memref<8000xf32, #tpu.memory_space<vmem>>, vector<16xf32>,
      %sub3A_965 = arith.subf %add3A_84, %get3A_964 : vector<16xf32>
      %add3A_966 = arith.constant 144 : i32
      %add3A_967 = arith.addi %mul3A_241, %add3A_966 : i32
      %get3A_968 = arith.index_cast %add3A_967 : i32 to index
      %get3A_969 = tpu.vector_load %arg7[%get3A_968] {strides = array<i32>} : memref<4000xf32, #tpu.memory_space<vmem>>, vector<16xf32>,
      %sub3A_970 = arith.subf %get3A_211, %get3A_969 : vector<16xf32>
      %gt3A_971 = arith.constant 0.000000e+00 : f32
      %gt3A_972 = vector.broadcast %gt3A_971 : f32 to vector<16xf32>
      %gt3A_973 = arith.cmpf ogt, %sub3A_965, %gt3A_972 : vector<16xf32>
      %gt3A_974 = arith.constant 0.000000e+00 : f32
      %gt3A_975 = vector.broadcast %gt3A_974 : f32 to vector<16xf32>
      %gt3A_976 = arith.cmpf ogt, %sub3A_970, %gt3A_975 : vector<16xf32>
      %and3A_977 = arith.andi %gt3A_973, %gt3A_976 : vector<16xi1>
      %div3A_978 = arith.divf %sub3A_965, %sub3A_970 : vector<16xf32>
      %bitcast_convert_type3A_979 = tpu.bitcast %div3A_978 : vector<16xf32> -> vector<16xi32>
      %shift_right_logical3A_980 = arith.constant 23 : i32
      %shift_right_logical3A_981 = vector.broadcast %shift_right_logical3A_980 : i32 to vector<16xi32>
      %shift_right_logical3A_982 = arith.shrui %bitcast_convert_type3A_979, %shift_right_logical3A_981 : vector<16xi32>
      %convert_element_type3A_983 = arith.sitofp %shift_right_logical3A_982 : vector<16xi32> to vector<16xf32>
      %and3A_984 = arith.constant 8388607 : i32
      %and3A_985 = vector.broadcast %and3A_984 : i32 to vector<16xi32>
      %and3A_986 = arith.andi %bitcast_convert_type3A_979, %and3A_985 : vector<16xi32>
      %or3A_987 = arith.constant 1065353216 : i32
      %or3A_988 = vector.broadcast %or3A_987 : i32 to vector<16xi32>
      %or3A_989 = arith.ori %and3A_986, %or3A_988 : vector<16xi32>
      %bitcast_convert_type3A_990 = tpu.bitcast %or3A_989 : vector<16xi32> -> vector<16xf32>
      %sub3A_991 = arith.constant 1.000000e+00 : f32
      %sub3A_992 = vector.broadcast %sub3A_991 : f32 to vector<16xf32>
      %sub3A_993 = arith.subf %bitcast_convert_type3A_990, %sub3A_992 : vector<16xf32>
      %mul3A_994 = arith.mulf %sub3A_993, %sub3A_993 : vector<16xf32>
      %mul3A_995 = arith.mulf %mul3A_994, %mul3A_994 : vector<16xf32>
      %mul3A_996 = arith.constant 1.4426868 : f32
      %mul3A_997 = vector.broadcast %mul3A_996 : f32 to vector<16xf32>
      %mul3A_998 = arith.mulf %mul3A_997, %sub3A_993 : vector<16xf32>
      %add3A_999 = arith.constant 4.88635798E-8 : f32
      %add3A_1000 = vector.broadcast %add3A_999 : f32 to vector<16xf32>
      %add3A_1001 = arith.addf %add3A_1000, %mul3A_998 : vector<16xf32>
      %mul3A_1002 = arith.constant 0.478323549 : f32
      %mul3A_1003 = vector.broadcast %mul3A_1002 : f32 to vector<16xf32>
      %mul3A_1004 = arith.mulf %mul3A_1003, %sub3A_993 : vector<16xf32>
      %add3A_1005 = arith.constant -0.721114635 : f32
      %add3A_1006 = vector.broadcast %add3A_1005 : f32 to vector<16xf32>
      %add3A_1007 = arith.addf %add3A_1006, %mul3A_1004 : vector<16xf32>
      %mul3A_1008 = arith.mulf %add3A_1007, %mul3A_994 : vector<16xf32>
      %add3A_1009 = arith.addf %add3A_1001, %mul3A_1008 : vector<16xf32>
      %mul3A_1010 = arith.constant 0.239231661 : f32
      %mul3A_1011 = vector.broadcast %mul3A_1010 : f32 to vector<16xf32>
      %mul3A_1012 = arith.mulf %mul3A_1011, %sub3A_993 : vector<16xf32>
      %add3A_1013 = arith.constant -0.345996022 : f32
      %add3A_1014 = vector.broadcast %add3A_1013 : f32 to vector<16xf32>
      %add3A_1015 = arith.addf %add3A_1014, %mul3A_1012 : vector<16xf32>
      %mul3A_1016 = arith.constant 0.0502775088 : f32
      %mul3A_1017 = vector.broadcast %mul3A_1016 : f32 to vector<16xf32>
      %mul3A_1018 = arith.mulf %mul3A_1017, %sub3A_993 : vector<16xf32>
      %add3A_1019 = arith.constant -0.134534255 : f32
      %add3A_1020 = vector.broadcast %add3A_1019 : f32 to vector<16xf32>
      %add3A_1021 = arith.addf %add3A_1020, %mul3A_1018 : vector<16xf32>
      %mul3A_1022 = arith.mulf %add3A_1021, %mul3A_994 : vector<16xf32>
      %add3A_1023 = arith.addf %add3A_1015, %mul3A_1022 : vector<16xf32>
      %mul3A_1024 = arith.constant -0.00887469668 : f32
      %mul3A_1025 = vector.broadcast %mul3A_1024 : f32 to vector<16xf32>
      %mul3A_1026 = arith.mulf %mul3A_1025, %mul3A_995 : vector<16xf32>
      %add3A_1027 = arith.addf %add3A_1023, %mul3A_1026 : vector<16xf32>
      %mul3A_1028 = arith.mulf %add3A_1027, %mul3A_995 : vector<16xf32>
      %add3A_1029 = arith.addf %add3A_1009, %mul3A_1028 : vector<16xf32>
      %add3A_1030 = arith.addf %convert_element_type3A_983, %add3A_1029 : vector<16xf32>
      %mul3A_1031 = arith.constant 3.010300e+00 : f32
      %mul3A_1032 = vector.broadcast %mul3A_1031 : f32 to vector<16xf32>
      %mul3A_1033 = arith.mulf %add3A_1030, %mul3A_1032 : vector<16xf32>
      %add3A_1034 = arith.addf %mul3A_1033, %sub3A_209 : vector<16xf32>
      %abs3A_1035 = math.absf %add3A_1034 : vector<16xf32>
      %jit3A_1036 = arith.constant 0.000000e+00 : f32
      %broadcast_in_dim3A_1037 = vector.broadcast %jit3A_1036 : f32 to vector<16xf32>
      %select_n3A_1038 = arith.select %and3A_977, %abs3A_1035, %broadcast_in_dim3A_1037 : vector<16xi1>, vector<16xf32>
      %add3A_1039 = arith.addf %add3A_959, %select_n3A_1038 : vector<16xf32>
      scf.yield %add3A_1039 : vector<16xf32>
    }
    %scan3A_219 = arith.constant 25 : i32
    %broadcast_in_dim3A_220 = arith.constant 0.000000e+00 : f32
    %broadcast_in_dim3A_221 = vector.broadcast %broadcast_in_dim3A_220 : f32 to vector<16xf32>
    %swap3A_222 = arith.constant 16 : index
    %swap3A_223 = tpu.vector_load %arg10[%swap3A_222] {strides = array<i32>} : memref<128xf32, #tpu.memory_space<vmem>>, vector<16xf32>,
    tpu.vector_store %arg10[%swap3A_222], %broadcast_in_dim3A_221 {strides = array<i32>} : memref<128xf32, #tpu.memory_space<vmem>>, vector<16xf32>,
    %swap3A_224 = arith.constant 32 : index
    %swap3A_225 = tpu.vector_load %arg10[%swap3A_224] {strides = array<i32>} : memref<128xf32, #tpu.memory_space<vmem>>, vector<16xf32>,
    tpu.vector_store %arg10[%swap3A_224], %broadcast_in_dim3A_221 {strides = array<i32>} : memref<128xf32, #tpu.memory_space<vmem>>, vector<16xf32>,
    %swap3A_226 = arith.constant 48 : index
    %swap3A_227 = tpu.vector_load %arg10[%swap3A_226] {strides = array<i32>} : memref<128xf32, #tpu.memory_space<vmem>>, vector<16xf32>,
    tpu.vector_store %arg10[%swap3A_226], %broadcast_in_dim3A_221 {strides = array<i32>} : memref<128xf32, #tpu.memory_space<vmem>>, vector<16xf32>,
    %swap3A_228 = arith.constant 64 : index
    %swap3A_229 = tpu.vector_load %arg10[%swap3A_228] {strides = array<i32>} : memref<128xf32, #tpu.memory_space<vmem>>, vector<16xf32>,
    tpu.vector_store %arg10[%swap3A_228], %broadcast_in_dim3A_221 {strides = array<i32>} : memref<128xf32, #tpu.memory_space<vmem>>, vector<16xf32>,
    %swap3A_230 = arith.constant 80 : index
    %swap3A_231 = tpu.vector_load %arg10[%swap3A_230] {strides = array<i32>} : memref<128xf32, #tpu.memory_space<vmem>>, vector<16xf32>,
    tpu.vector_store %arg10[%swap3A_230], %broadcast_in_dim3A_221 {strides = array<i32>} : memref<128xf32, #tpu.memory_space<vmem>>, vector<16xf32>,
    %swap3A_232 = arith.constant 96 : index
    %swap3A_233 = tpu.vector_load %arg10[%swap3A_232] {strides = array<i32>} : memref<128xf32, #tpu.memory_space<vmem>>, vector<16xf32>,
    tpu.vector_store %arg10[%swap3A_232], %broadcast_in_dim3A_221 {strides = array<i32>} : memref<128xf32, #tpu.memory_space<vmem>>, vector<16xf32>,
    %swap3A_234 = arith.constant 112 : index
    %swap3A_235 = tpu.vector_load %arg10[%swap3A_234] {strides = array<i32>} : memref<128xf32, #tpu.memory_space<vmem>>, vector<16xf32>,
    tpu.vector_store %arg10[%swap3A_234], %broadcast_in_dim3A_221 {strides = array<i32>} : memref<128xf32, #tpu.memory_space<vmem>>, vector<16xf32>,
    %swap3A_236 = arith.constant 0 : index
    %swap3A_237 = tpu.vector_load %arg10[%swap3A_236] {strides = array<i32>} : memref<128xf32, #tpu.memory_space<vmem>>, vector<16xf32>,
    tpu.vector_store %arg10[%swap3A_236], %scan3A_218 {strides = array<i32>} : memref<128xf32, #tpu.memory_space<vmem>>, vector<16xf32>,
    %run_scoped3A = arith.constant 0 : i32
    "tpu.region"() ({
      %run_scoped3A_238 = tpu.sem_alloc : memref<!tpu.dma_semaphore, #tpu.memory_space<semaphore_mem>>
      %dma_start3A = arith.constant 0 : i32
      %dma_start3A_239 = tpu.memref_slice %arg4[%add3A, %run_scoped3A, %dma_start3A] : memref<32x1x128xf32, #tpu.memory_space<hbm>> -> memref<1x1x128xf32, #tpu.memory_space<hbm>>
      %dma_start3A_240 = tpu.memref_squeeze %dma_start3A_239 : memref<1x1x128xf32, #tpu.memory_space<hbm>> -> memref<128xf32, #tpu.memory_space<hbm>>
      %dma_start3A_241 = arith.constant 0 : i32
      %dma_start3A_242 = tpu.memref_slice %arg4[%add3A, %run_scoped3A, %dma_start3A_241] : memref<32x1x128xf32, #tpu.memory_space<hbm>> -> memref<1x1x128xf32, #tpu.memory_space<hbm>>
      %dma_start3A_243 = tpu.memref_squeeze %dma_start3A_242 : memref<1x1x128xf32, #tpu.memory_space<hbm>> -> memref<128xf32, #tpu.memory_space<hbm>>
      tpu.enqueue_dma source(%arg10 : memref<128xf32, #tpu.memory_space<vmem>>) target(%dma_start3A_243 : memref<128xf32, #tpu.memory_space<hbm>>) target_semaphore(%run_scoped3A_238 : memref<!tpu.dma_semaphore, #tpu.memory_space<semaphore_mem>>)
      %dma_wait3A = arith.constant 0 : i32
      %dma_wait3A_244 = tpu.memref_slice %arg4[%add3A, %run_scoped3A, %dma_wait3A] : memref<32x1x128xf32, #tpu.memory_space<hbm>> -> memref<1x1x128xf32, #tpu.memory_space<hbm>>
      %dma_wait3A_245 = tpu.memref_squeeze %dma_wait3A_244 : memref<1x1x128xf32, #tpu.memory_space<hbm>> -> memref<128xf32, #tpu.memory_space<hbm>>
      %dma_wait3A_246 = arith.constant 0 : i32
      %dma_wait3A_247 = tpu.memref_slice %arg4[%add3A, %run_scoped3A, %dma_wait3A_246] : memref<32x1x128xf32, #tpu.memory_space<hbm>> -> memref<1x1x128xf32, #tpu.memory_space<hbm>>
      %dma_wait3A_248 = tpu.memref_squeeze %dma_wait3A_247 : memref<1x1x128xf32, #tpu.memory_space<hbm>> -> memref<128xf32, #tpu.memory_space<hbm>>
      tpu.wait_dma2 semaphore(%run_scoped3A_238 : memref<!tpu.dma_semaphore, #tpu.memory_space<semaphore_mem>>) src(%arg10 : memref<128xf32, #tpu.memory_space<vmem>>) dst(%dma_wait3A_248 : memref<128xf32, #tpu.memory_space<hbm>>)
      tpu.yield
    }) : () -> ()
    return
  }
}

module attributes {stable_mosaic.version = 14 : i64} {
  func.func @_l1_mean_body(%arg0: memref<32x1x128xf32, #tpu.memory_space<vmem>>, %arg1: memref<1x1xf32, #tpu.memory_space<smem>>) attributes {dimension_semantics = [], scalar_prefetch = 0 : i64, scratch_operands = 0 : i64, tpu.core_type = #tpu.core_type<tc>} {
    %get3A = arith.constant 0 : index
    %get3A_0 = arith.constant 0 : index
    %get3A_1 = arith.constant 0 : index
    %get3A_2 = vector.load %arg0[%get3A, %get3A_0, %get3A_1] : memref<32x1x128xf32, #tpu.memory_space<vmem>>, vector<32x1x128xf32>
    %reduce_sum3A = vector.shape_cast %get3A_2 : vector<32x1x128xf32> to vector<1x32x1x128xf32>
    %reduce_sum3A_3 = arith.constant dense<0.000000e+00> : vector<1xf32>
    %reduce_sum3A_4 = vector.multi_reduction <add>, %reduce_sum3A, %reduce_sum3A_3 [1, 2, 3] : vector<1x32x1x128xf32> to vector<1xf32>
    %reduce_sum3A_5 = vector.shape_cast %reduce_sum3A_4 : vector<1xf32> to vector<1x1x1x1xf32>
    %reduce_sum3A_6 = vector.extract %reduce_sum3A_5[0, 0, 0, 0] : f32 from vector<1x1x1x1xf32>
    %mul3A = arith.constant 7.812500e-06 : f32
    %mul3A_7 = arith.mulf %reduce_sum3A_6, %mul3A : f32
    %swap3A = arith.constant 0 : index
    %swap3A_8 = arith.constant 0 : index
    %swap3A_9 = memref.load %arg1[%swap3A, %swap3A_8] : memref<1x1xf32, #tpu.memory_space<smem>>
    memref.store %mul3A_7, %arg1[%swap3A, %swap3A_8] : memref<1x1xf32, #tpu.memory_space<smem>>
    return
  }
}

</mosaic_0001>

<sc_bundles>
// kernel: kernel.4.cloned.1.call-start
scs
__scs_entry_jumppad:
0x0: {  	(pc) =	sbr.rel $0x88, $3  }
0x1: {  	(tag) =	ssettag $0x0;
	lr =	simm.s32 $0x1  }
0x2: {  	[smem:$0x3F9F] =	sst lr;
	_ =	strace $0xD0000000  }
0x3: {  	_ = 	snop  }
0x4: {  	_ = 	snop  }
0x5: {  	_ = 	snop  }
0x6: {  	_ = 	snop  }
0x7: {  	_ = 	snop  }
__scs_overlays_trampoline_lowered:
0x8: {  	[smem:$0x3FAE] =	sst s0  }
0x9: {  	[smem:$0x3FAF] =	sst s1  }
0xa: {  	[smem:$0x3FB0] =	sst s2  }
0xb: {  	[smem:$0x3FB1] =	sst s3  }
0xc: {  	[smem:$0x3FB2] =	sst s4  }
0xd: {  	[smem:$0x3FB3] =	sst s5  }
0xe: {  	[smem:$0x3FB4] =	sst s6  }
0xf: {  	[smem:$0x3FB5] =	sst s7  }
0x10: {  	[smem:$0x3FB6] =	sst s8  }
0x11: {  	[smem:$0x3FB7] =	sst s9;
	s0 =	simm.s32 @!p0 $0x0  }
0x12: {  	s1 =	sld [smem:$0x3F9D];
	s0 =	simm.s32 @p0 $0x1  }
0x13: {  	[smem:$0x3FB8] =	sst s0;
	s0 =	simm.s32 @!p1 $0x0  }
0x14: {  	s2 =	sld [smem:$0x3F9C];
	s0 =	simm.s32 @p1 $0x1  }
0x15: {  	[smem:$0x3FB9] =	sst s0;
	s0 =	simm.s32 @!p2 $0x0  }
0x16: {  	s3 =	sld [smem:$0x3FDB];
	s0 =	simm.s32 @p2 $0x1  }
0x17: {  	s4 =	simm.s32 $0x1BF5;
	[smem:$0x3FBB] =	sst s0  }
0x18: {  	s0 =	sld [smem:$0x3F9E];
	_ =	swait.ge [sflag:s4], $0x0  }
0x19: {  	s7 =	sld [smem:$0x3F9F]  }
0x1a: {  	s8 =	sadd.s32 $0xFFFFE003, lr  }
0x1b: {  	s9 =	sadd.s32 $0xFFFFFEF7, lr;
	s5 =	simm.s32 $0xFFFFFFFF;
	p2 =	slt.u32 s8, $0xFFFFF086  }
0x1c: {  	p1 =	slt.u32 s9, $0xF7A;
	s5 =	simm.s32 @!p2 $0x0  }
0x1d: {  	s5 =	simm.s32 @p1 $0x1;
	p0 =	seq.s32 s7, s2  }
0x1e: {  	s7 =	smul.u32 @!p0 $0xF7A, s2;
	p2 =	seq.s32 @!p0 s5, $0x0  }
0x1f: {  	s9 =	smul.u32 $0xF7A, s1;
	s8 =	simm.s32 @!p0 $0x1BF5;
	p2 =	por !p2, p0  }
0x20: {  	[sflag:s8] =	ssyncset.s32 @!p0 $0xFFFFF086;
	s6 =	sadd.s32 @!p0 s3, s7;
	s7 =	simm.s32 @!p0 $0x108  }
0x21: {  	s3 =	sadd.s32 s3, s9;
	s6 =	sadd.s32 @!p0 $0x88, s6;
	s7 =	simm.s32 @p2 $0x1082  }
0x22: {  	[simem:s7], [sflag:s8] =	dma.local @!p0 [hbm:s6], $0xF7A  }
0x23: {  	s9 =	sor.u32 $0xD0000000, s2;
	s6 =	simm.s32 $0x108;
	_ =	swait.ge @!p0 [sflag:s8], $0x0  }
0x24: {  	s3 =	sadd.s32 $0x88, s3;
	s6 =	simm.s32 @!p1 $0x1082;
	[sflag:s4] =	ssyncset.s32 $0xFFFFF086  }
0x25: {  	[simem:s6], [sflag:s4] =	dma.local [hbm:s3], $0xF7A  }
0x26: {  	[smem:$0x3F9F] =	sst s1;
	(tag) =	ssettag s2;
	_ =	strace s9  }
0x27: {  	s1 =	sld [smem:$0x3FAF]  }
0x28: {  	s2 =	sld [smem:$0x3FB0]  }
0x29: {  	s4 =	sld [smem:$0x3FB2]  }
0x2a: {  	p0 =	seq.s32 s5, $0x0;
	s5 =	sld [smem:$0x3FB3]  }
0x2b: {  	s6 =	sld [smem:$0x3FB4]  }
0x2c: {  	s7 =	sld [smem:$0x3FB5]  }
0x2d: {  	s3 =	simm.s32 $0x108;
	s8 =	sld [smem:$0x3FB6]  }
0x2e: {  	s3 =	simm.s32 @!p0 $0x1082;
	s9 =	sld [smem:$0x3FB7]  }
0x2f: {  	lr =	sadd.s32 s0, s3;
	s0 =	sld [smem:$0x3FAE]  }
0x30: {  	s3 =	sld [smem:$0x3FB1]  }
0x31: {  	[smem:$0x3FBA] =	sst s10  }
0x32: {  	s10 =	sld [smem:$0x3FB8];
	_ =	sdelay $0x3  }
0x33: {  	p0 =	seq.s32 s10, $0x1;
	s10 =	sld [smem:$0x3FBA];
	_ =	sdelay $0x3  }
0x34: {  	[smem:$0x3FBA] =	sst s10  }
0x35: {  	s10 =	sld [smem:$0x3FB9];
	_ =	sdelay $0x3  }
0x36: {  	p1 =	seq.s32 s10, $0x1;
	s10 =	sld [smem:$0x3FBA];
	_ =	sdelay $0x3  }
0x37: {  	[smem:$0x3FBA] =	sst s10  }
0x38: {  	s10 =	sld [smem:$0x3FBB]  }
0x39: {  	_ = 	snop;
	(pc) =	sbr.ind lr, $3  }
0x3a: {  	_ = 	snop  }
0x3b: {  	_ = 	snop  }
0x3c: {  	p2 =	seq.s32 s10, $0x1;
	s10 =	sld [smem:$0x3FBA]  }
0x3d: {  	_ =	shalt  }
0x3e: {  	_ =	shalt  }
0x3f: {  	_ =	shalt  }
0x40: {  	_ =	shalt  }
0x41: {  	_ =	shalt  }
0x42: {  	_ =	shalt  }
0x43: {  	_ =	shalt  }
0x44: {  	_ =	shalt  }
0x45: {  	_ =	shalt  }
0x46: {  	_ =	shalt  }
0x47: {  	_ =	shalt  }
0x48: {  	_ =	shalt  }
0x49: {  	_ =	shalt  }
0x4a: {  	_ =	shalt  }
0x4b: {  	_ =	shalt  }
0x4c: {  	_ =	shalt  }
0x4d: {  	_ =	shalt  }
0x4e: {  	_ =	shalt  }
0x4f: {  	_ =	shalt  }
0x50: {  	_ =	shalt  }
0x51: {  	_ =	shalt  }
0x52: {  	_ =	shalt  }
0x53: {  	_ =	shalt  }
0x54: {  	_ =	shalt  }
0x55: {  	_ =	shalt  }
0x56: {  	_ =	shalt  }
0x57: {  	_ =	shalt  }
0x58: {  	_ =	shalt  }
0x59: {  	_ =	shalt  }
0x5a: {  	_ =	shalt  }
0x5b: {  	_ =	shalt  }
0x5c: {  	_ =	shalt  }
0x5d: {  	_ =	shalt  }
0x5e: {  	_ =	shalt  }
0x5f: {  	_ =	shalt  }
0x60: {  	_ =	shalt  }
0x61: {  	_ =	shalt  }
0x62: {  	_ =	shalt  }
0x63: {  	_ =	shalt  }
0x64: {  	_ =	shalt  }
0x65: {  	_ =	shalt  }
0x66: {  	_ =	shalt  }
0x67: {  	_ =	shalt  }
0x68: {  	_ =	shalt  }
0x69: {  	_ =	shalt  }
0x6a: {  	_ =	shalt  }
0x6b: {  	_ =	shalt  }
0x6c: {  	_ =	shalt  }
0x6d: {  	_ =	shalt  }
0x6e: {  	_ =	shalt  }
0x6f: {  	_ =	shalt  }
0x70: {  	_ =	shalt  }
0x71: {  	_ =	shalt  }
0x72: {  	_ =	shalt  }
0x73: {  	_ =	shalt  }
0x74: {  	_ =	shalt  }
0x75: {  	_ =	shalt  }
0x76: {  	_ =	shalt  }
0x77: {  	_ =	shalt  }
0x78: {  	_ =	shalt  }
0x79: {  	_ =	shalt  }
0x7a: {  	_ =	shalt  }
0x7b: {  	_ =	shalt  }
0x7c: {  	_ =	shalt  }
0x7d: {  	_ =	shalt  }
0x7e: {  	_ =	shalt  }
0x7f: {  	_ =	shalt  }
0x80: {  	_ =	shalt  }
0x81: {  	_ =	shalt  }
0x82: {  	_ =	shalt  }
0x83: {  	_ =	shalt  }
0x84: {  	_ =	shalt  }
0x85: {  	_ =	shalt  }
0x86: {  	_ =	shalt  }
0x87: {  	_ =	shalt  }
.Lfunc_end0:
.L_simem_size_0:
called_computation_lowered:
.L_overlay_start_0:
0x88: {  	s2 =	sld [smem:$0x3FD9]  }
0x89: {  	s3 =	sld [smem:$0x3FFE];
	_ =	sdelay $0x1  }
0x8a: {  	s1 =	srdreg.scid  }
0x8b: {  	s0 =	sand.u32 $0x1, s1  }
0x8c: {  	s16 =	sshll.u32 s0, $0xA;
	s2 =	sadd.s32 s3, s2  }
0x8d: {  	s2 =	sadd.s32 s2, s16  }
0x8e: {  	[smem:$0x3FC6] =	sst s2  }
0x8f: {  	_ = 	snop  }
0x90: {  	(tm) =	ssettm $0x1  }
0x91: {  	s17 =	sld [smem:$0x3FFB];
	_ =	sdelay $0x3  }
0x92: {  	_ =	strace s17  }
0x93: {  	s2 =	sld [smem:$0x3FFC];
	_ =	sdelay $0x3  }
0x94: {  	_ =	strace s2  }
0x95: {  	s2 =	sld [smem:$0x3FFD];
	_ =	sdelay $0x3  }
0x96: {  	_ =	strace s2  }
0x97: {  	_ =	strace $0x8FFFFFFF  }
0x98: {  	s18 =	sld [smem:$0x3FDB];
	_ =	sdelay $0x1  }
0x99: {  	s19 =	simm.s32 $_scs_section_size  }
0x9a: {  	s4 =	simm.s32 $_size__tile_overlayer_lowered;
	s5 =	simm.s32 $_tile_overlayer_lowered  }
0x9b: {  	s22 =	simm.s32 $0x1BFF;
	s21 =	sshll.u32 s5, $0x1;
	s2 =	sadd.s32 s19, s18  }
0x9c: {  	s6 =	simm.s32 $0x0;
	s20 =	sshll.u32 s4, $0x1;
	s4 =	sadd.s32 s21, s2  }
0x9d: {  	[timem:s6], [sflag:s22] =	dma.local [hbm:s4], s20  }
0x9e: {  	_ =	swait.ge [sflag:s22], s20  }
0x9f: {  	s3 =	ssub.s32 $0x0, s20;
	[sflag:s22] =	ssyncset.done $0x0  }
0xa0: {  	[sflag:s22] =	ssyncadd.s32 s3;
	_ =	sdelay $0x1  }
0xa1: {  	s23 =	simm.s32 $0x1B8B  }
0xa2: {  	_ =	swait.ge [sflag:s23], $0x1  }
0xa3: {  	[sflag:s23] =	ssyncset.done $0x0  }
0xa4: {  	s25 =	simm.s32 $0x1B8E;
	s24 =	sld [smem:$0x3FFE];
	[sflag:s23] =	ssyncadd.s32 $0xFFFFFFFF  }
0xa5: {  	s26 =	simm.s32 $execute0_lowered;
	[smem:$0x3FD2] =	sst s25  }
0xa6: {  	s4 =	sshll.u32 s26, $0x1;
	_ =	strace $0x80000046;
	[dreg:$0x1] =	wrdreg $0xFFFFFFFF  }
0xa7: {  	s28 =	simm.s32 $_size_execute0_lowered;
	s2 =	sadd.s32 s2, s4;
	[dreg:$0x0] =	wrdreg $0x0  }
0xa8: {  	s4 =	sshll.u32 s28, $0x1;
	[dreg:$0x2] =	wrdreg s2  }
0xa9: {  	[dreg:$0x3] =	wrdreg s4  }
0xaa: {  	[dreg:$0x4] =	wrdreg $0xC0  }
0xab: {  	_ =	task [dreg:s6], $0x5FFFF  }
0xac: {  	[dreg:$0x1] =	wrdreg $0xFFFFFFFF  }
0xad: {  	[dreg:$0x0] =	wrdreg $0x60  }
0xae: {  	[dreg:$0x2] =	wrdreg s24  }
0xaf: {  	[dreg:$0x3] =	wrdreg $0xAE000  }
0xb0: {  	[dreg:$0x4] =	wrdreg $0xCD400  }
0xb1: {  	[dreg:$0x5] =	wrdreg $0x9  }
0xb2: {  	_ =	task.clear_ibuf [dreg:s6], $0x6FFFF;
	_ =	strace $0x90000046  }
0xb3: {  	s29 =	simm.s32 $0x9;
	_ =	strace $0x80000048  }
0xb4: {  	_ =	swait.ge [sflag:s29], $0x1  }
0xb5: {  	[sflag:s29] =	ssyncadd.s32 $0xFFFFFFFF  }
0xb6: {  	_ =	strace $0x90000048  }
0xb7: {  	_ =	sfence  }
0xb8: {  	s30 =	sld [smem:$0x0];
	_ =	sdelay $0x2  }
0xb9: {  	s31 =	sshll.u32 s1, $0xD;
	s1 =	sshrl.u32 s1, $0x2  }
0xba: {  	s3 =	sand.u32 $0x4000, s31;
	s1 =	sadd.s32 s1, s30  }
0xbb: {  	s0 =	sor.u32 s3, s0;
	s1 =	sshll.u32 s1, $0x11  }
0xbc: {  	s0 =	sor.u32 s1, s0  }
0xbd: {  	s0 =	sadd.s32 $0x8F2B, s0  }
0xbe: {  	[sflag:s0] =	ssyncadd.remote.s32 $0x1  }
0xbf: {  	_ =	sfence.sel $0xFFFF  }
0xc0: {  	[dreg:$0x0] =	wrdreg $0xFFFFFFFF;
	(pc) =	sbr.abs _section_cstart, $3  }
0xc1: {  	[dreg:$0x1] =	wrdreg $0xFFFFFFFF  }
0xc2: {  	_ =	task.clear_ibuf [dreg:s6], $0x2FFFF;
	_ =	strace $0x9FFFFFFF  }
0xc3: {  	(tm) =	ssettm $0x7FFFFFFF  }
tec
execute0_lowered:
.L_overlay_start_1:
0x0: {  	(tag) =	ssettag $0x1  }
0x1: {  	s9 =	rddreg [dreg:$0x0]  }
0x2: {  	s6 =	rddreg [dreg:$0x1]  }
0x3: {  	s7 =	rddreg [dreg:$0x2]  }
0x4: {  	s0 =	rddreg [dreg:$0x3];
	s3 =	srdreg.scid  }
0x5: {  	s2 =	simm.s32 $0x0;
	s1 =	stileid.u32;
	s16 =	simm.s32 $0xAC80  }
0x6: {  	s17 =	simm.s32 $0x9C80;
	s18 =	simm.s32 $0xAD00;
	s19 =	simm.s32 $0xAD80  }
0x7: {  	s20 =	simm.s32 $0x0;
	s3 =	sand.u32 $0x1, s3;
	[smem:$0x7FF] =	sst s2  }
0x8: {  	s4 =	sshll.u32 s1, $0x5;
	s10 =	sshrl.u32 s1, $0x3;
	s24 =	sshll.u32 s1, $0x1D  }
0x9: {  	s12 =	smul.u32 $0x7D00, s1;
	s13 =	sxor.u32 $0x8, s1;
	s26 =	sshll.u32 s1, $0x4  }
0xa: {  	s5 =	sshll.u32 s3, $0x4;
	_ =	strace $0x80000047;
	s3 =	ssub.s32 $0x2, s3  }
0xb: {  	s23 =	sand.u32 $0x1, s10;
	s14 =	smul.u32 $0x7D00, s13;
	s29 =	sshll.u32 s13, $0x4  }
0xc: {  	s13 =	simm.s32 $0x800;
	s4 =	sor.u32 s5, s4;
	s22 =	sshrl.u32 s3, $0x1  }
0xd: {  	s5 =	sshra.s32 s24, $0x1F;
	p0 =	seq.s32 s23, $0x1;
	s25 =	sshrl.u32 s12, $0x2  }
0xe: {  	s12 =	simm.s32 $0x80;
	s8 =	sadd.s32 s4, s9;
	s11 =	ssub.s32 s3, s22  }
0xf: {  	s5 =	sand.u32 $0x7D00, s5;
	s4 =	sand.u32 $0x70, s4;
	s3 =	sadd.s32 s25, s6  }
0x10: {  	s28 =	sshrl.u32 s14, $0x2;
	s13 =	simm.s32 @!p0 $0x10200;
	s14 =	simm.s32 $0x1  }
0x11: {  	s15 =	sor.u32 s4, s5;
	s4 =	sadd.s32 s26, s7;
	s5 =	smul.u32 $0xFA0, s10  }
0x12: {  	s6 =	sadd.s32 s28, s6;
	s10 =	smul.u32 $0x3E80, s10;
	s7 =	sadd.s32 s29, s7  }
0x13: {  	s8 =	sadd.s32 $0x1FC00, s8;
	s30 =	sadd.s32 s13, s9;
	s9 =	smax.u32 s11, $0x1  }
0x14: {  	s13 =	simm.s32 $0x400;
	s6 =	sadd.s32 s5, s6;
	s31 =	sshrl.u32 s10, $0x2  }
0x15: {  	v18 =	vimm.f32 $0.0e+00;
	s10 =	sadd.s32 s30, s15;
	s15 =	simm.s32 $0x7D00;
	s11 =	sadd.s32 $0x7D50, s31  }
.LBB2_1:
0x16: {  	[tilespmem:s2], [sflag:$0x1] =	stream.strided.gather [hbm4b:s10+s12], $0x7D00, s13, s12, $0x38;
	[tilespmem:$0xCD50] =	vst v63  }
0x17: {  	_ =	swait.ge [sflag:s14], $0x7D00  }
0x18: {  	[sflag:s14] =	ssyncset.done $0x0  }
0x19: {  	s21 =	simm.s32 $0x2070;
	[sflag:s14] =	ssyncadd.s32 $0xFFFF8300  }
0x1a: {  	v0 =	vld [tilespmem:s21+$0xFFFFFEE0]  }
0x1b: {  	v2 =	vld [tilespmem:s21+$0xFFFFFF00]  }
0x1c: {  	v3 =	vld [tilespmem:s21+$0xFFFFFF20]  }
0x1d: {  	v4 =	vld [tilespmem:s21+$0xFFFFFF40]  }
0x1e: {  	v5 =	vld [tilespmem:s21+$0xFFFFFF60]  }
0x1f: {  	v6 =	vld [tilespmem:s21+$0xFFFFFF80]  }
0x20: {  	v7 =	vld [tilespmem:s21+$0xFFFFFED0]  }
0x21: {  	v8 =	vld [tilespmem:s21+$0xFFFFFEF0]  }
0x22: {  	v9 =	vld [tilespmem:s21+$0xFFFFFFA0]  }
0x23: {  	v10 =	vld [tilespmem:s21+$0xFFFFFFC0]  }
0x24: {  	v17 =	vld [tilespmem:s21+$0xFFFFFF30];
	v1 =	vmul.f32 v0, v0  }
0x25: {  	v2 =	vmul.f32 v2, v2;
	v14 =	vmul.f32 v3, v3  }
0x26: {  	v15 =	vmul.f32 v4, v4;
	v13 =	vmul.f32 v5, v5  }
0x27: {  	s22 =	sand.u32 $0xFFC0, s2;
	v16 =	vld [tilespmem:s21+$0xFFFFFF50];
	v3 =	vmul.f32 v7, v7;
	v4 =	vmul.f32 v8, v8  }
0x28: {  	v21 =	vld [tilespmem:s22+$0x1F80];
	v0 =	vmul.f32 v6, v6;
	v11 =	vmul.f32 v9, v9  }
0x29: {  	v19 =	vld [tilespmem:s21+$0xFFFFFF70];
	v12 =	vmul.f32 v10, v10;
	v22 =	vmul.f32 v17, v17;
	v5 =	vimm.f32 $0.0e+00  }
0x2a: {  	v20 =	vld [tilespmem:s21+$0xFFFFFFB0];
	v6 =	vimm.f32 $0.0e+00;
	v7 =	vimm.f32 $0.0e+00;
	v10 =	vimm.f32 $0.0e+00  }
0x2b: {  	v17 =	vld [tilespmem:s21+$0xFFFFFFD0];
	v8 =	vimm.f32 $0.0e+00;
	v9 =	vimm.f32 $0.0e+00;
	v23 =	vadd.f32 v3, v18  }
0x2c: {  	v24 =	vadd.f32 v4, v18;
	v3 =	vimm.f32 $0.0e+00;
	v4 =	vimm.f32 $0.0e+00;
	v18 =	vld [tilespmem:s22+$0x2000];
	s22 =	simm.s32 $0x140  }
.LBB2_2:
0x2d: {  	p0 =	sne.s32 s22, $0x5C80;
	v21 =	vmul.f32 v21, v21;
	v16 =	vmul.f32 v16, v16;
	v25 =	vld [tilespmem:s21+$0xFFFFFFF0]  }
0x2e: {  	v23 =	vadd.f32 v1, v23;
	v24 =	vadd.f32 v2, v24;
	v1 =	vmul.f32 v19, v19;
	v2 =	vld [tilespmem:s21+$0xFFFFFFE0]  }
0x2f: {  	v6 =	vadd.f32 v22, v6;
	v5 =	vadd.f32 v21, v5;
	v19 =	vmul.f32 v20, v20;
	v20 =	vld [tilespmem:s21+$0x0];
	s21 =	sadd.s32 $0x140, s21  }
0x30: {  	v3 =	vadd.f32 v16, v3;
	v21 =	vld [tilespmem:s21+$0xFFFFFEE0];
	v1 =	vadd.f32 v1, v4;
	v16 =	vmul.f32 v17, v17  }
0x31: {  	v6 =	vadd.f32 v15, v6;
	v17 =	vld [tilespmem:s21+$0xFFFFFF00];
	v5 =	vadd.f32 v14, v5;
	v14 =	vmul.f32 v18, v18  }
0x32: {  	v3 =	vadd.f32 v13, v3;
	v15 =	vld [tilespmem:s21+$0xFFFFFF20];
	v4 =	vadd.f32 v0, v1;
	v0 =	vmul.f32 v25, v25  }
0x33: {  	v10 =	vadd.f32 v19, v10;
	v13 =	vld [tilespmem:s21+$0xFFFFFF40];
	v1 =	vadd.f32 v14, v7;
	v2 =	vmul.f32 v2, v2  }
0x34: {  	v8 =	vadd.f32 v16, v8;
	v18 =	vld [tilespmem:s21+$0xFFFFFF60];
	v0 =	vadd.f32 v0, v9;
	v9 =	vmul.f32 v20, v20  }
0x35: {  	v10 =	vadd.f32 v12, v10;
	v20 =	vld [tilespmem:s21+$0xFFFFFF80];
	v7 =	vadd.f32 v11, v1  }
0x36: {  	v8 =	vadd.f32 v2, v8;
	v11 =	vld [tilespmem:s21+$0xFFFFFFA0];
	v9 =	vadd.f32 v9, v0  }
0x37: {  	v12 =	vld [tilespmem:s21+$0xFFFFFFC0]  }
0x38: {  	v22 =	vld [tilespmem:s21+$0xFFFFFED0]  }
0x39: {  	v25 =	vld [tilespmem:s21+$0xFFFFFEF0]  }
0x3a: {  	v26 =	vld [tilespmem:s21+$0xFFFFFF30]  }
0x3b: {  	s23 =	sand.u32 $0xFFC0, s22;
	v1 =	vmul.f32 v21, v21;
	v2 =	vmul.f32 v17, v17;
	v16 =	vld [tilespmem:s21+$0xFFFFFF50]  }
.Ltmp0:
0x3c: {  	v14 =	vmul.f32 v15, v15;
	v15 =	vmul.f32 v13, v13;
	v21 =	vld [tilespmem:s23+$0x1F80];
	(pc) =	sbr.rel @p0 .LBB2_2-.Ltmp0, $4  }
0x3d: {  	v13 =	vmul.f32 v18, v18;
	v0 =	vmul.f32 v20, v20;
	v19 =	vld [tilespmem:s21+$0xFFFFFF70]  }
0x3e: {  	v18 =	vmul.f32 v22, v22;
	v22 =	vmul.f32 v25, v25;
	v20 =	vld [tilespmem:s21+$0xFFFFFFB0]  }
0x3f: {  	v11 =	vmul.f32 v11, v11;
	v12 =	vmul.f32 v12, v12;
	v17 =	vld [tilespmem:s21+$0xFFFFFFD0]  }
0x40: {  	s22 =	sadd.s32 $0x140, s22;
	v23 =	vadd.f32 v18, v23;
	v24 =	vadd.f32 v22, v24;
	v22 =	vmul.f32 v26, v26;
	v18 =	vld [tilespmem:s23+$0x2000]  }
0x41: {  	v21 =	vmul.f32 v21, v21;
	v16 =	vmul.f32 v16, v16;
	v25 =	vld [tilespmem:s21+$0xFFFFFFF0]  }
0x42: {  	v58 =	vld [tilespmem:s21+$0xFFFFFFE0];
	v1 =	vadd.f32 v1, v23;
	v2 =	vadd.f32 v2, v24;
	v19 =	vmul.f32 v19, v19  }
0x43: {  	v59 =	vld [tilespmem:s21+$0x0];
	v6 =	vadd.f32 v22, v6;
	v5 =	vadd.f32 v21, v5;
	v20 =	vmul.f32 v20, v20  }
0x44: {  	v16 =	vadd.f32 v16, v3;
	v19 =	vadd.f32 v19, v4;
	v17 =	vmul.f32 v17, v17  }
0x45: {  	v4 =	vadd.f32 v15, v6;
	v3 =	vadd.f32 v14, v5;
	v60 =	vmul.f32 v18, v18  }
0x46: {  	v5 =	vadd.f32 v13, v16;
	v6 =	vadd.f32 v0, v19;
	v0 =	vmul.f32 v25, v25  }
0x47: {  	v10 =	vadd.f32 v20, v10;
	v61 =	vmul.f32 v58, v58;
	v62 =	vadd.f32 v17, v8  }
0x48: {  	v63 =	vmul.f32 v59, v59;
	v7 =	vadd.f32 v60, v7;
	v0 =	vadd.f32 v0, v9  }
0x49: {  	v8 =	vadd.f32 v12, v10;
	v9 =	vadd.f32 v61, v62  }
0x4a: {  	s21 =	simm.s32 $0x0;
	s22 =	simm.s32 $0x7D50;
	s23 =	simm.s32 $0x50;
	v7 =	vadd.f32 v11, v7;
	v10 =	vadd.f32 v63, v0;
	v0 =	vimm.f32 $0.0e+00  }
.LBB2_4:
0x4b: {  	v11 =	vld [tilespmem:s23+$0xFFFFFFB0];
	_ =	sdelay $0x1  }
0x4c: {  	v12 =	vld [tilespmem:s23+$0xFFFFFFC0];
	_ =	sdelay $0x1  }
0x4d: {  	v13 =	vld [tilespmem:s23+$0xFFFFFFD0]  }
0x4e: {  	v11 =	vmul.f32 v11, v11  }
0x4f: {  	v14 =	vld [tilespmem:s23+$0xFFFFFFE0]  }
0x50: {  	v15 =	vld [tilespmem:s23+$0xFFFFFFF0];
	v12 =	vmul.f32 v12, v12;
	(xrf2) =	vadd.scan.msk.f32 $0xffff, v11;
	_ =	sdelay $0x1  }
0x51: {  	v13 =	vmul.f32 v13, v13;
	(xrf2) =	vadd.scan.msk.f32 $0xffff, v12  }
0x52: {  	v16 =	vld [tilespmem:s23+$0x0]  }
0x53: {  	v14 =	vmul.f32 v14, v14;
	(xrf2) =	vadd.scan.msk.f32 $0xffff, v13  }
0x54: {  	v17 =	vld [tilespmem:s23+$0x10];
	v15 =	vmul.f32 v15, v15  }
0x55: {  	(xrf2) =	vadd.scan.msk.f32 $0xffff, v14  }
0x56: {  	v18 =	vld [tilespmem:s23+$0x20];
	(xrf2) =	vadd.scan.msk.f32 $0xffff, v15  }
0x57: {  	s24 =	sand.u32 $0x3FE0, s21;
	v16 =	vmul.f32 v16, v16  }
0x58: {  	v19 =	vld [tilespmem:s24+$0x80]  }
0x59: {  	v21 =	vld [tilespmem:s23+$0x40];
	v17 =	vmul.f32 v17, v17;
	v20, _, _ =	vpop (xrf2);
	(xrf2) =	vadd.scan.msk.f32 $0xffff, v16  }
0x5a: {  	v22 =	vbroadcast v20, $0xF  }
0x5b: {  	v18 =	vmul.f32 v18, v18;
	v23, _, _ =	vpop (xrf2);
	(xrf2) =	vadd.scan.msk.f32 $0xffff, v17  }
0x5c: {  	v24 =	vbroadcast v23, $0xF;
	v22 =	vadd.f32 v22, v0  }
0x5d: {  	v19 =	vmul.f32 v19, v19;
	v25, _, _ =	vpop (xrf2);
	(xrf2) =	vadd.scan.msk.f32 $0xffff, v18  }
0x5e: {  	v21 =	vmul.f32 v21, v21;
	v26 =	vbroadcast v25, $0xF;
	v24 =	vadd.f32 v24, v22  }
0x5f: {  	v27, _, _ =	vpop (xrf2);
	(xrf2) =	vadd.scan.msk.f32 $0xffff, v19  }
0x60: {  	v11 =	vsub.f32 v20, v11;
	v28 =	vbroadcast v27, $0xF;
	v44, _, _ =	vpop (xrf2);
	(xrf2) =	vadd.scan.msk.f32 $0xffff, v21;
	v43 =	vadd.f32 v26, v24  }
0x61: {  	v12 =	vsub.f32 v23, v12  }
0x62: {  	v0 =	vadd.f32 v11, v0;
	v45 =	vbroadcast v44, $0xF;
	v11 =	vadd.f32 v28, v43  }
0x63: {  	v13 =	vsub.f32 v25, v13;
	v14 =	vsub.f32 v27, v14;
	v46, _, _ =	vpop (xrf2)  }
0x64: {  	v12 =	vadd.f32 v12, v22;
	v47 =	vbroadcast v46, $0xF;
	v23 =	vadd.f32 v45, v11  }
0x65: {  	v15 =	vsub.f32 v44, v15;
	v13 =	vadd.f32 v13, v24;
	v48, _, _ =	vpop (xrf2)  }
0x66: {  	v14 =	vadd.f32 v14, v43;
	v49 =	vbroadcast v48, $0xF;
	v50 =	vadd.f32 v47, v23  }
0x67: {  	[tilespmem:s22+$0xFFFFFFB0] =	vst v0;
	v0 =	vadd.f32 v15, v11;
	v11 =	vsub.f32 v46, v16;
	v51, _, _ =	vpop (xrf2)  }
0x68: {  	[tilespmem:s22+$0xFFFFFFC0] =	vst v12;
	v53 =	vsub.f32 v48, v17;
	v52 =	vbroadcast v51, $0xF;
	v54 =	vadd.f32 v49, v50  }
0x69: {  	[tilespmem:s22+$0xFFFFFFD0] =	vst v13;
	v55, _, _ =	vpop (xrf2);
	v11 =	vadd.f32 v11, v23;
	v56 =	vsub.f32 v51, v18  }
0x6a: {  	[tilespmem:s22+$0xFFFFFFE0] =	vst v14;
	v57 =	vbroadcast v55, $0xF;
	v59, _, _ =	vpop (xrf2);
	v60 =	vsub.f32 v55, v19;
	v58 =	vadd.f32 v52, v54  }
0x6b: {  	p0 =	sne.s32 s21, $0x1EA0;
	[tilespmem:s22+$0xFFFFFFF0] =	vst v0;
	v12 =	vadd.f32 v53, v50;
	v61 =	vsub.f32 v59, v21  }
.Ltmp1:
0x6c: {  	[tilespmem:s22+$0x0] =	vst v11;
	v0 =	vadd.f32 v56, v54;
	v11 =	vadd.f32 v57, v58;
	(pc) =	sbr.rel @p0 .LBB2_4-.Ltmp1, $4  }
0x6d: {  	[tilespmem:s22+$0x10] =	vst v12;
	v62 =	vadd.f32 v60, v58  }
0x6e: {  	v63 =	vbroadcast v59, $0xF;
	[tilespmem:s22+$0x20] =	vst v0;
	v0 =	vadd.f32 v61, v11  }
0x6f: {  	[tilespmem:s24+$0x7D80] =	vst v62  }
0x70: {  	s23 =	sadd.s32 $0xA0, s23;
	s21 =	sadd.s32 $0xA0, s21;
	[tilespmem:s22+$0x40] =	vst v0;
	v0 =	vadd.f32 v63, v11;
	s22 =	sadd.s32 $0xA0, s22  }
0x71: {  	v1 =	vadd.f32 v2, v1;
	_ =	sdelay $0x1  }
0x72: {  	v1 =	vadd.f32 v3, v1;
	_ =	sdelay $0x1  }
0x73: {  	v1 =	vadd.f32 v4, v1;
	_ =	sdelay $0x1  }
0x74: {  	v1 =	vadd.f32 v5, v1;
	_ =	sdelay $0x1  }
0x75: {  	v1 =	vadd.f32 v6, v1;
	_ =	sdelay $0x1  }
0x76: {  	v1 =	vadd.f32 v7, v1;
	_ =	sdelay $0x1  }
0x77: {  	v1 =	vadd.f32 v8, v1;
	_ =	sdelay $0x1  }
0x78: {  	v1 =	vadd.f32 v9, v1;
	_ =	sdelay $0x1  }
0x79: {  	v1 =	vadd.f32 v10, v1;
	_ =	sdelay $0x1  }
0x7a: {  	(xrf2) =	vadd.scan.msk.f32 $0xffff, v1;
	_ =	sdelay $0x9  }
0x7b: {  	v1, _, _ =	vpop (xrf2)  }
0x7c: {  	v1 =	vbroadcast v1, $0xF;
	_ =	sdelay $0x1  }
0x7d: {  	v5 =	vadd.f32 v0, v1;
	_ =	sdelay $0x1  }
0x7e: {  	[tilespmem:$0xAC80] =	vst v5  }
0x7f: {  	[spmem:s3] =	stream.linear.scatter [tilespmem:s15], [sflag:$0x1], $0x1F40, $0x38;
	[tilespmem:$0xCD50] =	vst v63  }
0x80: {  	_ =	swait.ge [sflag:s14], $0x1F40  }
0x81: {  	[sflag:s14] =	ssyncset.done $0x0  }
0x82: {  	[sflag:s14] =	ssyncadd.s32 $0xFFFFE0C0  }
0x83: {  	[spmem:s4] =	stream.linear.scatter [tilespmem:s16], [sflag:$0x1], $0x10, $0x38;
	[tilespmem:$0xCD50] =	vst v63  }
0x84: {  	_ =	swait.ge [sflag:s14], $0x10  }
0x85: {  	[sflag:s14] =	ssyncset.done $0x0  }
0x86: {  	[sflag:s14] =	ssyncadd.s32 $0xFFFFFFF0  }
0x87: {  	[bflag:$0x0] =	sbarrier.arrive $0xFFFF  }
0x88: {  	[tilespmem:s17], [sflag:$0x1] =	stream.linear.gather [spmem:s6], $0xFA0, $0x38;
	[tilespmem:$0xCD50] =	vst v63  }
0x89: {  	_ =	swait.ge [sflag:s14], $0xFA0  }
0x8a: {  	[sflag:s14] =	ssyncset.done $0x0  }
0x8b: {  	[sflag:s14] =	ssyncadd.s32 $0xFFFFF060  }
0x8c: {  	[tilespmem:s18], [sflag:$0x1] =	stream.linear.gather [spmem:s7], $0x10, $0x38;
	[tilespmem:$0xCD50] =	vst v63  }
0x8d: {  	_ =	swait.ge [sflag:s14], $0x10  }
0x8e: {  	[sflag:s14] =	ssyncset.done $0x0  }
0x8f: {  	[sflag:s14] =	ssyncadd.s32 $0xFFFFFFF0  }
0x90: {  	v22 =	vld [tilespmem:$0xAD00];
	_ =	sdelay $0x2  }
0x91: {  	v2 =	vand.u32 $0x7FFFFF, v5  }
0x92: {  	v2 =	vor.u32 $0x3F800000, v2  }
0x93: {  	v2 =	vadd.f32 $-1.000000000e+00, v2;
	v0 =	vand.u32 $0x7FFFFF, v22  }
0x94: {  	v0 =	vor.u32 $0x3F800000, v0  }
0x95: {  	v40 =	vmul.f32 $5.027750880e-02, v2;
	v41 =	vmul.f32 v2, v2;
	v0 =	vadd.f32 $-1.000000000e+00, v0  }
0x96: {  	v11 =	vmul.f32 $2.392316610e-01, v2;
	v13 =	vmul.f32 $4.783235490e-01, v2  }
0x97: {  	v2 =	vmul.f32 $1.442686800e+00, v2;
	v7 =	vmul.f32 $5.027750880e-02, v0  }
0x98: {  	v9 =	vadd.f32 $-1.345342550e-01, v40;
	v1 =	vmul.f32 v0, v0;
	v6 =	vmul.f32 $1.442686800e+00, v0  }
0x99: {  	v8 =	vmul.f32 $4.783235490e-01, v0;
	v0 =	vmul.f32 $2.392316610e-01, v0;
	v7 =	vadd.f32 $-1.345342550e-01, v7  }
0x9a: {  	v12 =	vmul.f32 v41, v41;
	v11 =	vadd.f32 $-3.459960220e-01, v11;
	v9 =	vmul.f32 v9, v41  }
0x9b: {  	s22 =	simm.s32 $0x0;
	v14 =	vld [tilespmem:s11+$0x40];
	v3 =	vmul.f32 v1, v1;
	v0 =	vadd.f32 $-3.459960220e-01, v0;
	v7 =	vmul.f32 v7, v1  }
0x9c: {  	s22 =	sand.u32 $0x1FE0, s22;
	v13 =	vadd.f32 $-7.211146350e-01, v13;
	v42 =	vmul.f32 $8.874696680e-03, v12;
	v43 =	vld [tilespmem:s11+$0x10];
	v8 =	vadd.f32 $-7.211146350e-01, v8  }
0x9d: {  	s21 =	simm.s32 $0x9CD0;
	v9 =	vadd.f32 v9, v11;
	v48 =	vld [tilespmem:s22+$0x9D00];
	v0 =	vadd.f32 v7, v0;
	v7 =	vmul.f32 $8.874696680e-03, v3  }
0x9e: {  	v2 =	vadd.f32 $4.886357980e-08, v2;
	v47 =	vld [tilespmem:s21+$0x40];
	v6 =	vadd.f32 $4.886357980e-08, v6;
	v1 =	vmul.f32 v8, v1  }
0x9f: {  	v9 =	vsub.f32 v9, v42;
	v15 =	vld [tilespmem:s21+$0x10];
	v8 =	vmul.f32 v13, v41;
	v0 =	vsub.f32 v0, v7  }
0xa0: {  	v16 =	vld [tilespmem:s11+$0xFFFFFFB0];
	v44 =	vshrl.u32 v22, $0x17;
	v1 =	vadd.f32 v1, v6  }
0xa1: {  	v17 =	vld [tilespmem:s21+$0x0];
	v2 =	vadd.f32 v8, v2;
	v0 =	vmul.f32 v0, v3;
	v3 =	vmul.f32 v9, v12  }
0xa2: {  	v46 =	vshrl.u32 v5, $0x17;
	v52 =	vld [tilespmem:s21+$0xFFFFFFD0];
	v32 =	vsub.f32 v22, v48;
	v45 =	vcvt.s32.f32 v44  }
0xa3: {  	v18 =	vld [tilespmem:s21+$0xFFFFFFC0];
	v0 =	vadd.f32 v0, v1;
	v1 =	vcvt.s32.f32 v46;
	v2 =	vadd.f32 v3, v2  }
0xa4: {  	v50 =	vld [tilespmem:s11+$0xFFFFFFC0];
	v4 =	vsub.f32 v5, v14;
	v11 =	vsub.f32 v5, v43  }
0xa5: {  	v6 =	vld [tilespmem:s11+$0x0];
	v0 =	vadd.f32 v45, v0;
	v1 =	vadd.f32 v1, v2  }
0xa6: {  	v49 =	vld [tilespmem:s21+$0x20];
	v15 =	vsub.f32 v22, v15;
	v20 =	vsub.f32 v22, v17  }
0xa7: {  	v51 =	vld [tilespmem:s21+$0xFFFFFFE0];
	v14 =	vsub.f32 v22, v52;
	v0 =	vmul.f32 $3.010299920e+00, v0;
	v1 =	vmul.f32 $3.010299920e+00, v1  }
0xa8: {  	v18 =	vsub.f32 v22, v18;
	v16 =	vsub.f32 v5, v16;
	vm1 =	vgt.f32 v11, $0.0e+00;
	v8 =	vld [tilespmem:s11+$0xFFFFFFF0]  }
0xa9: {  	vm3 =	vgt.f32 v15, $0.0e+00;
	v13 =	vsub.f32 v5, v50;
	v7 =	vld [tilespmem:s11+$0x20];
	v0 =	vsub.f32 v0, v1  }
0xaa: {  	vm7 =	vgt.f32 v20, $0.0e+00;
	v19 =	vsub.f32 v5, v6;
	v6 =	vld [tilespmem:s21+$0xFFFFFFB0];
	v1 =	vsub.f32 v22, v47  }
0xab: {  	vm1 =	vmand vm1, vm3;
	v9 =	vsub.f32 v22, v49;
	v3 =	vld [tilespmem:s11+$0xFFFFFFE0];
	v0 =	vadd.f32 $-3.823081050e+02, v0  }
0xac: {  	s31 =	sadd.s32 $0x0, s5;
	vm4 =	vgt.f32 v13, $0.0e+00;
	v12 =	vsub.f32 v22, v51;
	v2 =	vld [tilespmem:s11+$0xFFFFFFD0];
	(erf) = vrcp.f32 v1  }
0xad: {  	s22 =	sand.u32 $0x3FE0, s31;
	v8 =	vsub.f32 v5, v8;
	vm2 =	vgt.f32 v9, $0.0e+00;
	(erf) = vrcp.f32 v32;
	[tilespmem:$0x1FEF0] =	vst v0;
	v0 =	vld [tilespmem:s21+$0xFFFFFFF0]  }
0xae: {  	v21 =	vld [tilespmem:s22+$0x7D80];
	vm9 =	vgt.f32 v12, $0.0e+00;
	v7 =	vsub.f32 v5, v7;
	(erf) = vrcp.f32 v9  }
0xaf: {  	vm5 =	vgt.f32 v8, $0.0e+00;
	vm6 =	vgt.f32 v19, $0.0e+00;
	(erf) = vrcp.f32 v15  }
0xb0: {  	vm0 =	vgt.f32 v7, $0.0e+00;
	v17 =	vsub.f32 v22, v6;
	(erf) = vrcp.f32 v20  }
0xb1: {  	vm0 =	vmand vm0, vm2;
	v3 =	vsub.f32 v5, v3;
	v2 =	vsub.f32 v5, v2  }
0xb2: {  	vm2 =	vmand vm6, vm7;
	vm7 =	vgt.f32 v14, $0.0e+00;
	v0 =	vsub.f32 v22, v0  }
0xb3: {  	vm8 =	vgt.f32 v3, $0.0e+00;
	[tilespmem:$0x1FF00] =	vst v1;
	v1 =	vsub.f32 v5, v21;
	vm6 =	vgt.f32 v2, $0.0e+00  }
0xb4: {  	vm6 =	vmand vm6, vm7;
	vm7 =	vgt.f32 v18, $0.0e+00;
	(erf) = vrcp.f32 v0  }
0xb5: {  	vm7 =	vmand vm4, vm7;
	vm4 =	vgt.f32 v17, $0.0e+00;
	v53 =	vpop (erf);
	(erf) = vrcp.f32 v12  }
0xb6: {  	vm3 =	vgt.f32 v0, $0.0e+00;
	v54 =	vpop (erf);
	v9 =	vmul.f32 v53, v4;
	(erf) = vrcp.f32 v14  }
0xb7: {  	vm3 =	vmand vm5, vm3;
	v55 =	vpop (erf);
	v56 =	vmul.f32 v54, v1;
	(erf) = vrcp.f32 v18  }
0xb8: {  	vm5 =	vmand vm8, vm9;
	vm8 =	vgt.f32 v16, $0.0e+00;
	v0 =	vpop (erf);
	(erf) = vrcp.f32 v17  }
0xb9: {  	vm8 =	vmand vm8, vm4;
	v7 =	vmul.f32 v55, v7;
	v20 =	vpop (erf);
	v60 =	vand.u32 $0x7FFFFF, v56  }
0xba: {  	v0 =	vmul.f32 v0, v11;
	v19 =	vmul.f32 v20, v19;
	v24 =	vor.u32 $0x3F800000, v60  }
0xbb: {  	v61 =	vshrl.u32 v7, $0x17;
	v7 =	vand.u32 $0x7FFFFF, v7;
	v24 =	vadd.f32 $-1.000000000e+00, v24  }
0xbc: {  	v20 =	vand.u32 $0x7FFFFF, v9;
	v10 =	vshrl.u32 v0, $0x17;
	v7 =	vor.u32 $0x3F800000, v7  }
0xbd: {  	v20 =	vor.u32 $0x3F800000, v20;
	v7 =	vadd.f32 $-1.000000000e+00, v7;
	v27 =	vmul.f32 $1.442686800e+00, v24;
	v57 =	vpop (erf)  }
0xbe: {  	v20 =	vadd.f32 $-1.000000000e+00, v20;
	v36 =	vmul.f32 $4.783235490e-01, v24;
	v51 =	vmul.f32 $2.392316610e-01, v24;
	v58 =	vpop (erf)  }
0xbf: {  	v0 =	vand.u32 $0x7FFFFF, v0;
	v50 =	vmul.f32 $5.027750880e-02, v24;
	v15 =	vmul.f32 $4.783235490e-01, v7;
	v59 =	vpop (erf)  }
0xc0: {  	v0 =	vor.u32 $0x3F800000, v0;
	v45 =	vmul.f32 $5.027750880e-02, v20;
	v26 =	vmul.f32 v57, v8;
	v8 =	vpop (erf)  }
0xc1: {  	v0 =	vadd.f32 $-1.000000000e+00, v0;
	v28 =	vmul.f32 $2.392316610e-01, v7;
	v21 =	vmul.f32 v8, v13;
	v8 =	vpop (erf)  }
0xc2: {  	v44 =	vmul.f32 $5.027750880e-02, v7;
	v23 =	vmul.f32 v8, v16;
	v8 =	vshrl.u32 v56, $0x17  }
0xc3: {  	[tilespmem:$0x1FF30] =	vst v1;
	vm4 =	vgt.f32 v32, $0.0e+00;
	v57 =	vmul.f32 $1.442686800e+00, v20;
	v1 =	vcvt.s32.f32 v8  }
0xc4: {  	v63 =	vshrl.u32 v19, $0x17;
	v60 =	vmul.f32 $1.442686800e+00, v0;
	v31 =	vmul.f32 $2.392316610e-01, v0  }
0xc5: {  	v19 =	vand.u32 $0x7FFFFF, v19;
	v48 =	vmul.f32 $5.027750880e-02, v0;
	[tilespmem:$0x1FF50] =	vst v1;
	v1 =	vcvt.s32.f32 v61  }
0xc6: {  	v3 =	vmul.f32 v58, v3;
	v58 =	vmul.f32 $4.783235490e-01, v20;
	v8 =	vshrl.u32 v9, $0x17  }
0xc7: {  	v55 =	vadd.f32 $4.886357980e-08, v27;
	v2 =	vmul.f32 v59, v2;
	[tilespmem:$0x1FF60] =	vst v1;
	v1 =	vcvt.s32.f32 v8  }
0xc8: {  	v25 =	vand.u32 $0x7FFFFF, v26;
	v59 =	vmul.f32 $1.442686800e+00, v7;
	v57 =	vadd.f32 $4.886357980e-08, v57  }
0xc9: {  	v60 =	vadd.f32 $4.886357980e-08, v60;
	v62 =	vshrl.u32 v3, $0x17;
	[tilespmem:$0x1FF70] =	vst v1;
	v1 =	vcvt.s32.f32 v63  }
0xca: {  	v3 =	vand.u32 $0x7FFFFF, v3;
	v16 =	vshrl.u32 v2, $0x17;
	v2 =	vand.u32 $0x7FFFFF, v2  }
0xcb: {  	v3 =	vor.u32 $0x3F800000, v3;
	v56 =	vadd.f32 $-3.459960220e-01, v51;
	[tilespmem:$0x1FF80] =	vst v1;
	v1 =	vcvt.s32.f32 v10  }
0xcc: {  	v59 =	vadd.f32 $4.886357980e-08, v59;
	v18 =	vshrl.u32 v21, $0x17;
	v3 =	vadd.f32 $-1.000000000e+00, v3  }
0xcd: {  	v30 =	vand.u32 $0x7FFFFF, v21;
	v21 =	vmul.f32 v0, v0;
	[tilespmem:$0x1FF90] =	vst v1;
	v1 =	vcvt.s32.f32 v16  }
0xce: {  	v2 =	vor.u32 $0x3F800000, v2;
	v61 =	vmul.f32 $2.392316610e-01, v20;
	v29 =	vmul.f32 $1.442686800e+00, v3  }
0xcf: {  	v2 =	vadd.f32 $-1.000000000e+00, v2;
	v40 =	vmul.f32 $4.783235490e-01, v3;
	[tilespmem:$0x1FFA0] =	vst v1;
	v1 =	vcvt.s32.f32 v62  }
0xd0: {  	[tilespmem:$0x1FF10] =	vst v22;
	v22 =	vshrl.u32 v23, $0x17;
	v35 =	vmul.f32 $2.392316610e-01, v3;
	v51 =	vmul.f32 $5.027750880e-02, v3  }
0xd1: {  	v34 =	vmul.f32 $1.442686800e+00, v2;
	[tilespmem:$0x1FFB0] =	vst v1;
	v1 =	vcvt.s32.f32 v22;
	v22 =	vor.u32 $0x3F800000, v19  }
0xd2: {  	v19 =	vmul.f32 v20, v20;
	v20 =	vmul.f32 v7, v7;
	v7 =	vor.u32 $0x3F800000, v30  }
0xd3: {  	v49 =	vmul.f32 $4.783235490e-01, v2;
	v32 =	vmul.f32 $2.392316610e-01, v2;
	v7 =	vadd.f32 $-1.000000000e+00, v7  }
0xd4: {  	v63 =	vadd.f32 $-1.345342550e-01, v50;
	v50 =	vmul.f32 $5.027750880e-02, v2;
	[tilespmem:$0x1FFC0] =	vst v1;
	v1 =	vcvt.s32.f32 v18  }
0xd5: {  	v18 =	vmul.f32 v24, v24;
	v24 =	vadd.f32 $-1.000000000e+00, v22;
	v30 =	vmul.f32 $1.442686800e+00, v7  }
0xd6: {  	v61 =	vadd.f32 $-3.459960220e-01, v61;
	v43 =	vmul.f32 $4.783235490e-01, v7;
	v27 =	vmul.f32 $2.392316610e-01, v7  }
0xd7: {  	v62 =	vadd.f32 $-7.211146350e-01, v36;
	v36 =	vmul.f32 $5.027750880e-02, v7;
	v52 =	vmul.f32 $1.442686800e+00, v24  }
0xd8: {  	v22 =	vor.u32 $0x3F800000, v25;
	[tilespmem:$0x1FFD0] =	vst v1;
	v1 =	vmul.f32 $4.783235490e-01, v0;
	v33 =	vmul.f32 $4.783235490e-01, v24  }
0xd9: {  	v25 =	vadd.f32 $-1.000000000e+00, v22;
	v22 =	vmul.f32 v24, v24;
	v38 =	vmul.f32 $2.392316610e-01, v24  }
0xda: {  	v0 =	vand.u32 $0x7FFFFF, v23;
	v47 =	vmul.f32 $5.027750880e-02, v24;
	v24 =	vmul.f32 v3, v3  }
0xdb: {  	v3 =	vadd.f32 $-7.211146350e-01, v15;
	v37 =	vmul.f32 $1.442686800e+00, v25;
	v46 =	vmul.f32 $4.783235490e-01, v25  }
0xdc: {  	v23 =	vmul.f32 v25, v25;
	v39 =	vmul.f32 $2.392316610e-01, v25;
	v0 =	vor.u32 $0x3F800000, v0  }
0xdd: {  	[tilespmem:$0x1FF20] =	vst v5;
	v53 =	vmul.f32 $5.027750880e-02, v25;
	v25 =	vmul.f32 v2, v2;
	v2 =	vadd.f32 $-1.345342550e-01, v45  }
0xde: {  	[tilespmem:$0x1FF40] =	vst v4;
	v54 =	vadd.f32 $-1.000000000e+00, v0;
	v0 =	vshrl.u32 v26, $0x17;
	v26 =	vmul.f32 v7, v7  }
0xdf: {  	v7 =	vadd.f32 $-7.211146350e-01, v1;
	v1 =	vimm.f32 $0.0e+00;
	[tilespmem:$0x1FFE0] =	vst v0;
	v0 =	vadd.f32 $-7.211146350e-01, v58  }
0xe0: {  	v58 =	vadd.f32 $4.886357980e-08, v52;
	v41 =	vmul.f32 $1.442686800e+00, v54;
	v42 =	vmul.f32 $4.783235490e-01, v54  }
0xe1: {  	s23 =	smov.u32 s11;
	s22 =	simm.s32 $0xA0;
	[tilespmem:$0x1FFF0] =	vst v1;
	v45 =	vmul.f32 $2.392316610e-01, v54;
	v52 =	vmul.f32 $5.027750880e-02, v54  }
.LBB2_6:
0xe2: {  	v54 =	vmul.f32 v54, v54;
	v6 =	vadd.f32 $-3.459960220e-01, v28;
	v31 =	vadd.f32 $-3.459960220e-01, v31  }
0xe3: {  	v8 =	vmul.f32 v18, v18;
	v44 =	vadd.f32 $-1.345342550e-01, v44;
	v48 =	vadd.f32 $-1.345342550e-01, v48  }
0xe4: {  	v9 =	vmul.f32 v19, v19;
	v33 =	vadd.f32 $-7.211146350e-01, v33;
	v29 =	vadd.f32 $4.886357980e-08, v29  }
0xe5: {  	v10 =	vmul.f32 v20, v20;
	v46 =	vadd.f32 $-7.211146350e-01, v46;
	v34 =	vadd.f32 $4.886357980e-08, v34  }
0xe6: {  	v11 =	vmul.f32 v21, v21;
	v40 =	vadd.f32 $-7.211146350e-01, v40;
	v30 =	vadd.f32 $4.886357980e-08, v30  }
0xe7: {  	v49 =	vadd.f32 $-7.211146350e-01, v49;
	v13 =	vmul.f32 v24, v24;
	v35 =	vadd.f32 $-3.459960220e-01, v35  }
0xe8: {  	v41 =	vadd.f32 $4.886357980e-08, v41;
	v14 =	vmul.f32 v25, v25;
	v16 =	vmul.f32 v26, v26  }
0xe9: {  	v43 =	vadd.f32 $-7.211146350e-01, v43;
	v32 =	vadd.f32 $-3.459960220e-01, v32;
	v62 =	vmul.f32 v62, v18  }
0xea: {  	v51 =	vadd.f32 $-1.345342550e-01, v51;
	v18 =	vmul.f32 v63, v18;
	v0 =	vmul.f32 v0, v19  }
0xeb: {  	v42 =	vadd.f32 $-7.211146350e-01, v42;
	v3 =	vmul.f32 v3, v20;
	v7 =	vmul.f32 v7, v21  }
0xec: {  	v27 =	vadd.f32 $-3.459960220e-01, v27;
	v2 =	vmul.f32 v2, v19;
	v15 =	vmul.f32 v54, v54  }
0xed: {  	v19 =	vadd.f32 $-1.345342550e-01, v50;
	v17 =	vmul.f32 $8.874696680e-03, v8;
	v63 =	vmul.f32 $8.874696680e-03, v9  }
0xee: {  	v45 =	vadd.f32 $-3.459960220e-01, v45;
	v50 =	vmul.f32 $8.874696680e-03, v10;
	v1 =	vmul.f32 $8.874696680e-03, v11  }
0xef: {  	v36 =	vadd.f32 $-1.345342550e-01, v36;
	v20 =	vmul.f32 v44, v20;
	v21 =	vmul.f32 v48, v21  }
0xf0: {  	v44 =	vmul.f32 v46, v23;
	v46 =	vadd.f32 $-1.345342550e-01, v52;
	v40 =	vmul.f32 v40, v24  }
0xf1: {  	v52 =	vmul.f32 v49, v25;
	v55 =	vadd.f32 v62, v55;
	v18 =	vadd.f32 v18, v56  }
0xf2: {  	v3 =	vadd.f32 v3, v59;
	v0 =	vadd.f32 v0, v57;
	v43 =	vmul.f32 v43, v26  }
0xf3: {  	v7 =	vadd.f32 v7, v60;
	v2 =	vadd.f32 v2, v61;
	v19 =	vmul.f32 v19, v25  }
0xf4: {  	v24 =	vmul.f32 v51, v24;
	v26 =	vmul.f32 v36, v26;
	v21 =	vadd.f32 v21, v31  }
0xf5: {  	v60 =	vmul.f32 $8.874696680e-03, v14;
	v19 =	vadd.f32 v19, v32;
	v17 =	vsub.f32 v18, v17  }
0xf6: {  	v25 =	vadd.f32 v40, v29;
	v29 =	vadd.f32 v52, v34;
	v31 =	vmul.f32 v46, v54  }
0xf7: {  	v1 =	vsub.f32 v21, v1;
	v8 =	vmul.f32 v17, v8;
	v17 =	vsub.f32 v19, v60  }
0xf8: {  	v5 =	vld [tilespmem:$0x1FFA0];
	v59 =	vmul.f32 $8.874696680e-03, v15;
	v24 =	vadd.f32 v24, v35;
	v31 =	vadd.f32 v31, v45  }
0xf9: {  	v26 =	vadd.f32 v26, v27;
	v1 =	vmul.f32 v1, v11;
	v34 =	vmul.f32 v17, v14  }
0xfa: {  	v2 =	vsub.f32 v2, v63;
	v18 =	vmul.f32 $8.874696680e-03, v13;
	v21 =	vsub.f32 v31, v59  }
0xfb: {  	v31 =	vmul.f32 $8.874696680e-03, v16;
	v1 =	vadd.f32 v1, v7;
	v7 =	vadd.f32 v34, v29  }
0xfc: {  	v6 =	vadd.f32 v20, v6;
	v18 =	vsub.f32 v24, v18;
	v2 =	vmul.f32 v2, v9  }
0xfd: {  	v15 =	vmul.f32 v21, v15;
	v21 =	vsub.f32 v26, v31;
	v7 =	vadd.f32 v5, v7;
	v5 =	vld [tilespmem:$0x1FFB0]  }
0xfe: {  	v4 =	vld [tilespmem:$0x1FFD0];
	v20 =	vmul.f32 v42, v54;
	v30 =	vadd.f32 v43, v30;
	v35 =	vmul.f32 v18, v13  }
0xff: {  	v6 =	vsub.f32 v6, v50;
	v0 =	vadd.f32 v2, v0;
	v2 =	vld [tilespmem:$0x1FFC0];
	v62 =	vmul.f32 v21, v16  }
0x100: {  	v20 =	vadd.f32 v20, v41;
	v36 =	vadd.f32 v35, v25  }
0x101: {  	v53 =	vadd.f32 $-1.345342550e-01, v53;
	v6 =	vmul.f32 v6, v10;
	v32 =	vadd.f32 v62, v30  }
0x102: {  	v61 =	vadd.f32 v15, v20;
	v9 =	vadd.f32 v5, v36;
	v5 =	vld [tilespmem:$0x1FFE0]  }
0x103: {  	v3 =	vadd.f32 v6, v3;
	v6 =	vadd.f32 v4, v32;
	v4 =	vld [tilespmem:$0x1FEF0]  }
0x104: {  	v39 =	vadd.f32 $-3.459960220e-01, v39;
	v12 =	vmul.f32 v22, v22;
	v2 =	vadd.f32 v2, v61  }
0x105: {  	v28 =	vmul.f32 v23, v23;
	v47 =	vadd.f32 $-1.345342550e-01, v47;
	v23 =	vmul.f32 v53, v23  }
0x106: {  	v38 =	vadd.f32 $-3.459960220e-01, v38;
	v33 =	vmul.f32 v33, v22;
	v2 =	vmul.f32 $3.010299920e+00, v2  }
0x107: {  	v22 =	vmul.f32 v47, v22;
	v23 =	vadd.f32 v23, v39;
	v39 =	vcvt.s32.f32 v5;
	v5 =	vld [tilespmem:$0x1FFF0]  }
0x108: {  	v2 =	vadd.f32 v2, v4  }
0x109: {  	v33 =	vadd.f32 v33, v58;
	v22 =	vadd.f32 v22, v38;
	v58 =	vmul.f32 $8.874696680e-03, v12  }
0x10a: {  	v2 =	vand.u32 $0x7FFFFFFF, v2  }
0x10b: {  	v22 =	vsub.f32 v22, v58;
	v2 =	vnsel vm8, $0x0, v2  }
0x10c: {  	v2 =	vadd.f32 v2, v5;
	v5 =	vld [tilespmem:$0x1FF80]  }
0x10d: {  	v63 =	vmul.f32 v22, v12;
	_ =	sdelay $0x1  }
0x10e: {  	v11 =	vadd.f32 v63, v33;
	_ =	sdelay $0x1  }
0x10f: {  	v11 =	vadd.f32 v5, v11;
	v5 =	vld [tilespmem:$0x1FF90];
	_ =	sdelay $0x1  }
0x110: {  	v27 =	vmul.f32 $8.874696680e-03, v28;
	_ =	sdelay $0x1  }
0x111: {  	v37 =	vadd.f32 $4.886357980e-08, v37;
	v23 =	vsub.f32 v23, v27  }
0x112: {  	v6 =	vmul.f32 $3.010299920e+00, v6;
	v1 =	vadd.f32 v5, v1;
	v5 =	vld [tilespmem:$0x1FF60]  }
0x113: {  	v37 =	vadd.f32 v44, v37;
	v38 =	vmul.f32 v23, v28  }
0x114: {  	v7 =	vmul.f32 $3.010299920e+00, v7;
	v6 =	vadd.f32 v6, v4  }
0x115: {  	v10 =	vadd.f32 v38, v37  }
0x116: {  	v9 =	vmul.f32 $3.010299920e+00, v9;
	v7 =	vadd.f32 v7, v4;
	v6 =	vand.u32 $0x7FFFFFFF, v6  }
0x117: {  	v10 =	vadd.f32 v39, v10;
	v6 =	vnsel vm7, $0x0, v6;
	v3 =	vadd.f32 v5, v3;
	v5 =	vld [tilespmem:$0x1FF50]  }
0x118: {  	s21 =	sadd.s32 $0xA0, s21;
	v2 =	vadd.f32 v6, v2;
	v6 =	vand.u32 $0x7FFFFFFF, v7;
	v7 =	vadd.f32 v9, v4  }
0x119: {  	v47 =	vld [tilespmem:s21+$0xFFFFFFE0];
	v10 =	vmul.f32 $3.010299920e+00, v10;
	v6 =	vnsel vm6, $0x0, v6  }
0x11a: {  	s23 =	sadd.s32 $0xA0, s23;
	v49 =	vld [tilespmem:s21+$0xFFFFFFC0];
	v8 =	vadd.f32 v8, v55;
	v2 =	vadd.f32 v6, v2;
	v6 =	vand.u32 $0x7FFFFFFF, v7  }
0x11b: {  	v43 =	vld [tilespmem:s23+$0x0];
	v7 =	vadd.f32 v10, v4;
	v6 =	vnsel vm5, $0x0, v6;
	v11 =	vmul.f32 $3.010299920e+00, v11  }
0x11c: {  	s24 =	sand.u32 $0x1FE0, s22;
	v2 =	vadd.f32 v6, v2;
	v8 =	vadd.f32 v5, v8;
	v5 =	vld [tilespmem:$0x1FF70]  }
0x11d: {  	v46 =	vld [tilespmem:s24+$0x9D00];
	v6 =	vand.u32 $0x7FFFFFFF, v7;
	v7 =	vadd.f32 v11, v4;
	v1 =	vmul.f32 $3.010299920e+00, v1  }
0x11e: {  	v41 =	vld [tilespmem:s23+$0x20];
	v6 =	vnsel vm3, $0x0, v6  }
0x11f: {  	v16 =	vld [tilespmem:s21+$0x20];
	v2 =	vadd.f32 v6, v2;
	v6 =	vand.u32 $0x7FFFFFFF, v7;
	v1 =	vadd.f32 v1, v4  }
0x120: {  	v20 =	vld [tilespmem:$0x1FF20];
	v6 =	vnsel vm2, $0x0, v6  }
0x121: {  	v21 =	vld [tilespmem:$0x1FF10];
	v1 =	vand.u32 $0x7FFFFFFF, v1;
	v3 =	vmul.f32 $3.010299920e+00, v3;
	v0 =	vadd.f32 v5, v0  }
0x122: {  	v18 =	vld [tilespmem:s21+$0x0];
	v2 =	vadd.f32 v6, v2;
	v1 =	vnsel vm1, $0x0, v1  }
0x123: {  	v3 =	vadd.f32 v3, v4;
	v8 =	vmul.f32 $3.010299920e+00, v8;
	v5 =	vld [tilespmem:$0x1FF30];
	v0 =	vmul.f32 $3.010299920e+00, v0  }
0x124: {  	v17 =	vld [tilespmem:s21+$0x10];
	v1 =	vadd.f32 v1, v2  }
0x125: {  	v2 =	vand.u32 $0x7FFFFFFF, v3;
	v3 =	vadd.f32 v8, v4;
	v0 =	vadd.f32 v0, v4;
	v4 =	vld [tilespmem:$0x1FF40]  }
0x126: {  	v12 =	vsub.f32 v20, v41;
	v50 =	vsub.f32 v21, v16;
	v16 =	vld [tilespmem:s21+$0xFFFFFFB0]  }
0x127: {  	v44 =	vld [tilespmem:s23+$0xFFFFFFF0];
	v48 =	vsub.f32 v21, v46;
	v13 =	vsub.f32 v20, v43  }
0x128: {  	v18 =	vsub.f32 v21, v18;
	v2 =	vnsel vm0, $0x0, v2;
	vm1 =	vgt.f32 v5, $0.0e+00  }
0x129: {  	v45 =	vld [tilespmem:s21+$0x40];
	v1 =	vadd.f32 v2, v1;
	v2 =	vand.u32 $0x7FFFFFFF, v3;
	vm0 =	vmand vm1, vm4  }
0x12a: {  	v14 =	vsub.f32 v21, v49;
	v2 =	vnsel vm0, $0x0, v2;
	vm0 =	vgt.f32 v4, $0.0e+00;
	v4 =	vld [tilespmem:$0x1FF00]  }
0x12b: {  	v17 =	vsub.f32 v21, v17;
	vm11 =	vgt.f32 v18, $0.0e+00;
	v16 =	vsub.f32 v21, v16;
	v7 =	vld [tilespmem:s23+$0xFFFFFFE0]  }
0x12c: {  	vm10 =	vgt.f32 v14, $0.0e+00;
	v9 =	vsub.f32 v21, v47;
	v11 =	vsub.f32 v20, v44;
	v6 =	vld [tilespmem:s23+$0xFFFFFFD0]  }
0x12d: {  	vm7 =	vgt.f32 v48, $0.0e+00;
	vm9 =	vgt.f32 v16, $0.0e+00;
	vm6 =	vgt.f32 v13, $0.0e+00;
	v8 =	vld [tilespmem:s23+$0xFFFFFFC0]  }
0x12e: {  	vm13 =	vgt.f32 v9, $0.0e+00;
	vm3 =	vgt.f32 v17, $0.0e+00;
	vm5 =	vgt.f32 v11, $0.0e+00;
	v3 =	vld [tilespmem:s23+$0xFFFFFFB0]  }
0x12f: {  	v1 =	vadd.f32 v2, v1;
	v2 =	vld [tilespmem:s21+$0xFFFFFFF0];
	vm1 =	vgt.f32 v4, $0.0e+00;
	v4 =	vsub.f32 v21, v45  }
0x130: {  	v40 =	vld [tilespmem:s23+$0x40];
	vm2 =	vgt.f32 v50, $0.0e+00;
	v0 =	vand.u32 $0x7FFFFFFF, v0;
	vm0 =	vmand vm0, vm1  }
0x131: {  	s31 =	sadd.s32 s22, s5;
	v7 =	vsub.f32 v20, v7;
	v0 =	vnsel vm0, $0x0, v0;
	(erf) = vrcp.f32 v4  }
0x132: {  	v42 =	vld [tilespmem:s23+$0x10];
	s24 =	sand.u32 $0x3FE0, s31;
	v6 =	vsub.f32 v20, v6;
	v0 =	vadd.f32 v0, v1;
	(erf) = vrcp.f32 v48  }
0x133: {  	v19 =	vld [tilespmem:s24+$0x7D80];
	vm12 =	vgt.f32 v7, $0.0e+00;
	v8 =	vsub.f32 v20, v8;
	(erf) = vrcp.f32 v50  }
0x134: {  	v3 =	vsub.f32 v20, v3;
	v2 =	vsub.f32 v21, v2;
	[tilespmem:$0x1FFF0] =	vst v0;
	v0 =	vld [tilespmem:s21+$0xFFFFFFD0];
	(erf) = vrcp.f32 v17  }
0x135: {  	vm15 =	vgt.f32 v6, $0.0e+00;
	v5 =	vsub.f32 v20, v40;
	(erf) = vrcp.f32 v18  }
0x136: {  	vm4 =	vgt.f32 v8, $0.0e+00;
	vm8 =	vgt.f32 v3, $0.0e+00;
	(erf) = vrcp.f32 v2  }
0x137: {  	vm8 =	vmand vm8, vm9;
	v1 =	vsub.f32 v20, v42;
	(erf) = vrcp.f32 v9  }
0x138: {  	vm14 =	vgt.f32 v2, $0.0e+00;
	[tilespmem:$0x1FF00] =	vst v4;
	v4 =	vsub.f32 v20, v19;
	vm0 =	vgt.f32 v12, $0.0e+00  }
0x139: {  	vm0 =	vmand vm0, vm2;
	vm1 =	vgt.f32 v1, $0.0e+00;
	v0 =	vsub.f32 v21, v0  }
0x13a: {  	vm2 =	vmand vm6, vm11;
	v18 =	vimm.s32 $0x0;
	vm1 =	vmand vm1, vm3;
	v51 =	vpop (erf)  }
0x13b: {  	vm3 =	vmand vm5, vm14;
	vm5 =	vmand vm12, vm13;
	(erf) = vrcp.f32 v0;
	v52 =	vpop (erf)  }
0x13c: {  	v17 =	vsel vm4, $0xFFFFFFFF, v18;
	v10 =	vmul.f32 v51, v5;
	v2 =	vpop (erf);
	v54 =	vmul.f32 v52, v4  }
0x13d: {  	vm4 =	vgt.f32 v0, $0.0e+00;
	(erf) = vrcp.f32 v14;
	v0 =	vpop (erf);
	v2 =	vmul.f32 v2, v12  }
0x13e: {  	(erf) = vrcp.f32 v16;
	v53 =	vpop (erf);
	v0 =	vmul.f32 v0, v1;
	v58 =	vand.u32 $0x7FFFFF, v54  }
0x13f: {  	v55 =	vpop (erf);
	v9 =	vmul.f32 v53, v13;
	v59 =	vshrl.u32 v2, $0x17;
	v2 =	vand.u32 $0x7FFFFF, v2  }
0x140: {  	[tilespmem:$0x1FEE0] =	vst v17;
	v56 =	vpop (erf);
	v17 =	vmul.f32 v55, v11;
	v62 =	vshrl.u32 v0, $0x17;
	v11 =	vor.u32 $0x3F800000, v58  }
0x141: {  	v0 =	vand.u32 $0x7FFFFF, v0;
	v2 =	vor.u32 $0x3F800000, v2;
	v7 =	vmul.f32 v56, v7  }
0x142: {  	v61 =	vshrl.u32 v9, $0x17;
	v0 =	vor.u32 $0x3F800000, v0;
	v2 =	vadd.f32 $-1.000000000e+00, v2  }
0x143: {  	v9 =	vand.u32 $0x7FFFFF, v9;
	v20 =	vand.u32 $0x7FFFFF, v17;
	v0 =	vadd.f32 $-1.000000000e+00, v0  }
0x144: {  	v9 =	vor.u32 $0x3F800000, v9;
	v58 =	vmul.f32 $4.783235490e-01, v2;
	v28 =	vmul.f32 $2.392316610e-01, v2  }
0x145: {  	v20 =	vor.u32 $0x3F800000, v20;
	v44 =	vmul.f32 $5.027750880e-02, v2;
	v26 =	vmul.f32 $1.442686800e+00, v0  }
0x146: {  	[tilespmem:$0x1FF40] =	vst v5;
	v25 =	vadd.f32 $-1.000000000e+00, v20;
	v5 =	vmul.f32 $4.783235490e-01, v0;
	v20 =	vmul.f32 v2, v2  }
0x147: {  	v9 =	vadd.f32 $-1.000000000e+00, v9;
	v1 =	vpop (erf);
	v21 =	vmul.f32 v0, v0;
	v31 =	vmul.f32 $2.392316610e-01, v0  }
0x148: {  	vm6 =	vmand vm15, vm4;
	v48 =	vmul.f32 $5.027750880e-02, v0;
	v1 =	vmul.f32 v1, v6  }
0x149: {  	v60 =	vshrl.u32 v7, $0x17;
	v33 =	vmul.f32 $4.783235490e-01, v9;
	v22 =	vmul.f32 v9, v9  }
0x14a: {  	v7 =	vand.u32 $0x7FFFFF, v7;
	v57 =	vpop (erf);
	v38 =	vmul.f32 $2.392316610e-01, v9;
	v47 =	vmul.f32 $5.027750880e-02, v9  }
0x14b: {  	v7 =	vor.u32 $0x3F800000, v7;
	v8 =	vmul.f32 v57, v8;
	v37 =	vmul.f32 $1.442686800e+00, v25  }
0x14c: {  	v7 =	vadd.f32 $-1.000000000e+00, v7;
	v46 =	vmul.f32 $4.783235490e-01, v25;
	v23 =	vmul.f32 v25, v25  }
0x14d: {  	vm4 =	vmmov vm7;
	v6 =	vpop (erf);
	v39 =	vmul.f32 $2.392316610e-01, v25;
	v53 =	vmul.f32 $5.027750880e-02, v25  }
0x14e: {  	v3 =	vmul.f32 v6, v3;
	v6 =	vshrl.u32 v54, $0x17;
	v29 =	vmul.f32 $1.442686800e+00, v7  }
0x14f: {  	v18 =	vshrl.u32 v1, $0x17;
	v40 =	vmul.f32 $4.783235490e-01, v7;
	v24 =	vmul.f32 v7, v7  }
0x150: {  	v1 =	vand.u32 $0x7FFFFF, v1;
	v35 =	vmul.f32 $2.392316610e-01, v7;
	v51 =	vmul.f32 $5.027750880e-02, v7  }
0x151: {  	[tilespmem:$0x1FF30] =	vst v4;
	v7 =	vadd.f32 $-7.211146350e-01, v5;
	v4 =	vcvt.s32.f32 v6;
	v1 =	vor.u32 $0x3F800000, v1  }
0x152: {  	v6 =	vshrl.u32 v10, $0x17;
	v10 =	vand.u32 $0x7FFFFF, v10;
	v1 =	vadd.f32 $-1.000000000e+00, v1  }
0x153: {  	v16 =	vshrl.u32 v8, $0x17;
	v10 =	vor.u32 $0x3F800000, v10;
	[tilespmem:$0x1FF50] =	vst v4;
	v4 =	vcvt.s32.f32 v59  }
0x154: {  	v0 =	vand.u32 $0x7FFFFF, v3;
	v34 =	vmul.f32 $1.442686800e+00, v1;
	v49 =	vmul.f32 $4.783235490e-01, v1  }
0x155: {  	v10 =	vadd.f32 $-1.000000000e+00, v10;
	v25 =	vmul.f32 v1, v1;
	[tilespmem:$0x1FF60] =	vst v4;
	v4 =	vcvt.s32.f32 v6  }
0x156: {  	v0 =	vor.u32 $0x3F800000, v0;
	v32 =	vmul.f32 $2.392316610e-01, v1;
	v50 =	vmul.f32 $5.027750880e-02, v1  }
0x157: {  	v54 =	vadd.f32 $-1.000000000e+00, v0;
	v14 =	vmul.f32 $1.442686800e+00, v10;
	[tilespmem:$0x1FF70] =	vst v4;
	v4 =	vcvt.s32.f32 v61  }
0x158: {  	v8 =	vand.u32 $0x7FFFFF, v8;
	v15 =	vmul.f32 $4.783235490e-01, v10;
	v52 =	vmul.f32 $2.392316610e-01, v10  }
0x159: {  	v0 =	vld [tilespmem:$0x1FEE0];
	v6 =	vadd.f32 $-1.000000000e+00, v11;
	v41 =	vmul.f32 $1.442686800e+00, v54;
	[tilespmem:$0x1FF80] =	vst v4;
	v4 =	vcvt.s32.f32 v62  }
0x15a: {  	v19 =	vshrl.u32 v3, $0x17;
	v42 =	vmul.f32 $4.783235490e-01, v54;
	v45 =	vmul.f32 $2.392316610e-01, v54  }
0x15b: {  	v3 =	vadd.f32 $-7.211146350e-01, v58;
	v11 =	vmul.f32 $1.442686800e+00, v6;
	[tilespmem:$0x1FF90] =	vst v4;
	v4 =	vcvt.s32.f32 v18  }
0x15c: {  	v63 =	vmul.f32 $4.783235490e-01, v6;
	v13 =	vmul.f32 $2.392316610e-01, v6;
	v57 =	vadd.f32 $4.886357980e-08, v14  }
0x15d: {  	v61 =	vadd.f32 $-3.459960220e-01, v52;
	v52 =	vmul.f32 $5.027750880e-02, v54;
	[tilespmem:$0x1FFA0] =	vst v4;
	v4 =	vcvt.s32.f32 v60  }
0x15e: {  	vm7 =	vnez.u8 v0;
	v0 =	vshrl.u32 v17, $0x17;
	v55 =	vadd.f32 $4.886357980e-08, v11  }
0x15f: {  	v62 =	vadd.f32 $-7.211146350e-01, v63;
	v56 =	vadd.f32 $-3.459960220e-01, v13;
	[tilespmem:$0x1FFB0] =	vst v4;
	v4 =	vcvt.s32.f32 v19  }
0x160: {  	[tilespmem:$0x1FFE0] =	vst v0;
	v0 =	vadd.f32 $-7.211146350e-01, v15;
	v18 =	vmul.f32 v6, v6;
	v6 =	vmul.f32 $5.027750880e-02, v6  }
0x161: {  	p0 =	sne.s32 s22, $0xF00;
	[tilespmem:$0x1FFC0] =	vst v4;
	v4 =	vcvt.s32.f32 v16;
	v16 =	vmul.f32 $1.442686800e+00, v2;
	v2 =	vor.u32 $0x3F800000, v8  }
.Ltmp2:
0x162: {  	v19 =	vmul.f32 v10, v10;
	v10 =	vmul.f32 $5.027750880e-02, v10;
	v8 =	vadd.f32 $-1.000000000e+00, v2;
	(pc) =	sbr.rel @p0 .LBB2_6-.Ltmp2, $4  }
0x163: {  	vm7 =	vmand vm7, vm10;
	v63 =	vadd.f32 $-1.345342550e-01, v6;
	v60 =	vadd.f32 $4.886357980e-08, v26  }
0x164: {  	v2 =	vadd.f32 $-1.345342550e-01, v10;
	[tilespmem:$0x1FFD0] =	vst v4;
	v4 =	vmul.f32 $1.442686800e+00, v9;
	v30 =	vmul.f32 $1.442686800e+00, v8  }
0x165: {  	v59 =	vadd.f32 $4.886357980e-08, v16;
	v43 =	vmul.f32 $4.783235490e-01, v8;
	v27 =	vmul.f32 $2.392316610e-01, v8  }
0x166: {  	s22 =	sadd.s32 $0xA0, s22;
	v36 =	vmul.f32 $5.027750880e-02, v8;
	v26 =	vmul.f32 v8, v8;
	v58 =	vadd.f32 $4.886357980e-08, v4  }
0x167: {  	v14 =	vadd.f32 $4.886357980e-08, v37  }
0x168: {  	v15 =	vadd.f32 $-7.211146350e-01, v33;
	v33 =	vadd.f32 $-1.345342550e-01, v44  }
0x169: {  	v1 =	vmul.f32 v62, v18;
	v8 =	vadd.f32 $-7.211146350e-01, v46;
	v9 =	vadd.f32 $-1.345342550e-01, v48  }
0x16a: {  	v5 =	vmul.f32 v63, v18;
	v10 =	vadd.f32 $-3.459960220e-01, v28;
	v11 =	vadd.f32 $-3.459960220e-01, v31  }
0x16b: {  	v3 =	vmul.f32 v3, v20;
	v37 =	vadd.f32 $4.886357980e-08, v29;
	v38 =	vadd.f32 $-3.459960220e-01, v38  }
0x16c: {  	v0 =	vmul.f32 v0, v19;
	v40 =	vadd.f32 $-7.211146350e-01, v40;
	v12 =	vadd.f32 $-1.345342550e-01, v47  }
0x16d: {  	v62 =	vmul.f32 v7, v21;
	v13 =	vadd.f32 $-7.211146350e-01, v49;
	v16 =	vadd.f32 $-3.459960220e-01, v39  }
0x16e: {  	v2 =	vmul.f32 v2, v19;
	v44 =	vadd.f32 $4.886357980e-08, v30;
	v46 =	vadd.f32 $-7.211146350e-01, v43  }
0x16f: {  	v47 =	vmul.f32 v54, v54;
	v17 =	vadd.f32 $-7.211146350e-01, v42;
	v48 =	vadd.f32 $-3.459960220e-01, v35  }
0x170: {  	v49 =	vadd.f32 $-1.345342550e-01, v50;
	v50 =	vadd.f32 $4.886357980e-08, v41;
	v18 =	vmul.f32 v18, v18  }
0x171: {  	v52 =	vadd.f32 $-1.345342550e-01, v52;
	v19 =	vmul.f32 v19, v19;
	v35 =	vmul.f32 v25, v25  }
0x172: {  	v4 =	vadd.f32 v1, v55;
	v55 =	vadd.f32 v3, v59;
	v3 =	vmul.f32 v15, v22  }
0x173: {  	v54 =	vadd.f32 $-3.459960220e-01, v45;
	v7 =	vmul.f32 v33, v20;
	v8 =	vmul.f32 v8, v23  }
0x174: {  	v27 =	vadd.f32 $-3.459960220e-01, v27;
	v9 =	vmul.f32 v9, v21;
	v12 =	vmul.f32 v12, v22  }
0x175: {  	v6 =	vadd.f32 v5, v56;
	v13 =	vmul.f32 v13, v25;
	v17 =	vmul.f32 v17, v47  }
0x176: {  	v5 =	vadd.f32 v0, v57;
	v29 =	vmul.f32 v49, v25;
	v20 =	vmul.f32 v20, v20  }
0x177: {  	v0 =	vadd.f32 v62, v60;
	v28 =	vmul.f32 v52, v47;
	v56 =	vmul.f32 v21, v21  }
0x178: {  	v63 =	vadd.f32 v2, v61;
	v57 =	vmul.f32 $8.874696680e-03, v18;
	v59 =	vmul.f32 $8.874696680e-03, v19  }
0x179: {  	v15 =	vadd.f32 $4.886357980e-08, v34;
	v60 =	vmul.f32 v26, v26;
	v62 =	vmul.f32 v23, v23  }
0x17a: {  	v33 =	vmul.f32 v24, v24;
	v2 =	vadd.f32 v8, v14;
	v14 =	vadd.f32 $-1.345342550e-01, v53  }
0x17b: {  	v3 =	vadd.f32 v3, v58;
	v8 =	vadd.f32 v9, v11;
	v11 =	vmul.f32 v40, v24  }
0x17c: {  	v7 =	vadd.f32 v7, v10;
	v10 =	vadd.f32 v12, v38;
	v14 =	vmul.f32 v14, v23  }
0x17d: {  	v39 =	vmul.f32 $8.874696680e-03, v35;
	v53 =	vadd.f32 $-1.345342550e-01, v36;
	v9 =	vadd.f32 v11, v37  }
0x17e: {  	v11 =	vadd.f32 v13, v15;
	v15 =	vmul.f32 v47, v47;
	v12 =	vadd.f32 v14, v16  }
0x17f: {  	v16 =	vadd.f32 $-1.345342550e-01, v51;
	v14 =	vmul.f32 v46, v26;
	v51 =	vadd.f32 $-3.459960220e-01, v32  }
0x180: {  	v17 =	vadd.f32 v17, v50;
	v28 =	vadd.f32 v28, v54;
	v61 =	vmul.f32 $8.874696680e-03, v15  }
0x181: {  	v13 =	vadd.f32 v14, v44;
	v14 =	vadd.f32 v29, v51;
	v29 =	vmul.f32 v53, v26  }
0x182: {  	v58 =	vmul.f32 v22, v22;
	v1 =	vsub.f32 v63, v59;
	v63 =	vmul.f32 $8.874696680e-03, v56  }
0x183: {  	v34 =	vmul.f32 $8.874696680e-03, v60;
	v28 =	vsub.f32 v28, v61;
	v27 =	vadd.f32 v29, v27  }
0x184: {  	v6 =	vsub.f32 v6, v57;
	v36 =	vmul.f32 $8.874696680e-03, v20;
	v38 =	vmul.f32 $8.874696680e-03, v33  }
0x185: {  	v8 =	vsub.f32 v8, v63;
	v15 =	vmul.f32 v28, v15;
	v27 =	vsub.f32 v27, v34  }
0x186: {  	v37 =	vmul.f32 $8.874696680e-03, v58;
	v7 =	vsub.f32 v7, v36;
	v6 =	vmul.f32 v6, v18  }
0x187: {  	v18 =	vld [tilespmem:$0x1FFC0];
	v16 =	vmul.f32 v16, v24;
	v15 =	vadd.f32 v15, v17;
	v17 =	vmul.f32 v27, v60  }
0x188: {  	v43 =	vld [tilespmem:$0x1FEF0];
	v1 =	vmul.f32 v1, v19;
	v10 =	vsub.f32 v10, v37;
	v4 =	vadd.f32 v6, v4  }
0x189: {  	v40 =	vmul.f32 $8.874696680e-03, v62;
	v16 =	vadd.f32 v16, v48;
	v13 =	vadd.f32 v17, v13;
	v17 =	vld [tilespmem:$0x1FFD0]  }
0x18a: {  	v45 =	vld [tilespmem:$0x1FFA0];
	v8 =	vmul.f32 v8, v56;
	v1 =	vadd.f32 v1, v5;
	v14 =	vsub.f32 v14, v39  }
0x18b: {  	v47 =	vld [tilespmem:$0x1FFB0];
	v7 =	vmul.f32 v7, v20;
	v12 =	vsub.f32 v12, v40;
	v16 =	vsub.f32 v16, v38  }
0x18c: {  	v46 =	vld [tilespmem:$0x1FFE0];
	v0 =	vadd.f32 v8, v0;
	v14 =	vmul.f32 v14, v35;
	v15 =	vadd.f32 v18, v15  }
0x18d: {  	v10 =	vmul.f32 v10, v58;
	v7 =	vadd.f32 v7, v55;
	v16 =	vmul.f32 v16, v33  }
0x18e: {  	v41 =	vadd.f32 v14, v11;
	v15 =	vmul.f32 $3.010299920e+00, v15;
	v13 =	vadd.f32 v17, v13  }
0x18f: {  	v42 =	vmul.f32 v12, v62;
	v48 =	vld [tilespmem:$0x1FFF0];
	v3 =	vadd.f32 v10, v3;
	v9 =	vadd.f32 v16, v9  }
0x190: {  	v51 =	vld [tilespmem:$0x1FF80];
	v8 =	vadd.f32 v45, v41;
	v44 =	vadd.f32 v15, v43;
	v13 =	vmul.f32 $3.010299920e+00, v13  }
0x191: {  	v2 =	vadd.f32 v42, v2;
	v11 =	vcvt.s32.f32 v46;
	v9 =	vadd.f32 v47, v9  }
0x192: {  	v52 =	vld [tilespmem:$0x1FF90];
	v8 =	vmul.f32 $3.010299920e+00, v8;
	v12 =	vand.u32 $0x7FFFFFFF, v44;
	v13 =	vadd.f32 v13, v43  }
0x193: {  	v2 =	vadd.f32 v11, v2;
	v9 =	vmul.f32 $3.010299920e+00, v9;
	v12 =	vnsel vm8, $0x0, v12  }
0x194: {  	v53 =	vld [tilespmem:$0x1FF60];
	v8 =	vadd.f32 v8, v43;
	v11 =	vadd.f32 v12, v48;
	v49 =	vand.u32 $0x7FFFFFFF, v13  }
0x195: {  	v3 =	vadd.f32 v51, v3;
	v2 =	vmul.f32 $3.010299920e+00, v2;
	v12 =	vnsel vm7, $0x0, v49  }
0x196: {  	v55 =	vld [tilespmem:$0x1FF50];
	v8 =	vand.u32 $0x7FFFFFFF, v8;
	v9 =	vadd.f32 v9, v43;
	v50 =	vadd.f32 v12, v11  }
0x197: {  	v0 =	vadd.f32 v52, v0;
	v3 =	vmul.f32 $3.010299920e+00, v3;
	v8 =	vnsel vm6, $0x0, v8  }
0x198: {  	v57 =	vld [tilespmem:$0x1FF70];
	v2 =	vadd.f32 v2, v43;
	v9 =	vand.u32 $0x7FFFFFFF, v9;
	v8 =	vadd.f32 v8, v50  }
0x199: {  	v0 =	vmul.f32 $3.010299920e+00, v0;
	v7 =	vadd.f32 v53, v7;
	v9 =	vnsel vm5, $0x0, v9  }
0x19a: {  	v3 =	vadd.f32 v3, v43;
	v2 =	vand.u32 $0x7FFFFFFF, v2;
	v8 =	vadd.f32 v9, v8  }
0x19b: {  	v4 =	vadd.f32 v55, v4;
	v0 =	vadd.f32 v0, v43;
	v2 =	vnsel vm3, $0x0, v2  }
0x19c: {  	v60 =	vld [tilespmem:$0x1FF30];
	v54 =	vmul.f32 $3.010299920e+00, v7;
	v3 =	vand.u32 $0x7FFFFFFF, v3;
	v2 =	vadd.f32 v2, v8  }
0x19d: {  	v63 =	vld [tilespmem:$0x1FF00];
	v1 =	vadd.f32 v57, v1;
	v4 =	vmul.f32 $3.010299920e+00, v4;
	v3 =	vnsel vm2, $0x0, v3  }
0x19e: {  	v62 =	vld [tilespmem:$0x1FF40];
	v0 =	vand.u32 $0x7FFFFFFF, v0;
	v56 =	vadd.f32 v54, v43;
	v2 =	vadd.f32 v3, v2  }
0x19f: {  	v1 =	vmul.f32 $3.010299920e+00, v1;
	v18 =	vimm.f32 $0.0e+00;
	v0 =	vnsel vm1, $0x0, v0  }
0x1a0: {  	v59 =	vadd.f32 v4, v43;
	v58 =	vand.u32 $0x7FFFFFFF, v56;
	v0 =	vadd.f32 v0, v2  }
0x1a1: {  	v1 =	vadd.f32 v1, v43;
	[tilespmem:$0xAD90] =	vst v18;
	vm12 =	vgt.f32 v60, $0.0e+00;
	v2 =	vnsel vm0, $0x0, v58  }
0x1a2: {  	[tilespmem:$0xADA0] =	vst v18;
	v61 =	vand.u32 $0x7FFFFFFF, v59;
	vm0 =	vmand vm12, vm4;
	v0 =	vadd.f32 v2, v0  }
0x1a3: {  	vm14 =	vgt.f32 v63, $0.0e+00;
	vm13 =	vgt.f32 v62, $0.0e+00;
	[tilespmem:$0xADB0] =	vst v18;
	v2 =	vnsel vm0, $0x0, v61  }
0x1a4: {  	v1 =	vand.u32 $0x7FFFFFFF, v1;
	[tilespmem:$0xADC0] =	vst v18;
	vm15 =	vmand vm13, vm14;
	v0 =	vadd.f32 v2, v0  }
0x1a5: {  	[tilespmem:$0xADD0] =	vst v18;
	v1 =	vnsel vm15, $0x0, v1  }
0x1a6: {  	s20 =	sadd.s32 $0x1, s20;
	[tilespmem:$0xADE0] =	vst v18;
	v0 =	vadd.f32 v1, v0  }
0x1a7: {  	p0 =	sne.s32 s20, s9;
	[tilespmem:$0xADF0] =	vst v18  }
.Ltmp3:
0x1a8: {  	[tilespmem:$0xAD80] =	vst v0;
	(pc) =	sbr.rel @p0 .LBB2_1-.Ltmp3, $4  }
0x1a9: {  	[hbm4b:s8+s2] =	stream.linear.scatter [tilespmem:s19], [sflag:$0x1], $0x80, $0x38;
	[tilespmem:$0xCD50] =	vst v63  }
0x1aa: {  	_ =	swait.ge [sflag:s14], $0x80  }
0x1ab: {  	[sflag:s14] =	ssyncset.done $0x0  }
0x1ac: {  	[sflag:s14] =	ssyncadd.s32 $0xFFFFFF80  }
0x1ad: {  	_ =	sfence.sel $0x180000  }
0x1ae: {  	[bflag:$0x0] =	sbarrier.arrive $0xFFFF  }
0x1af: {  	p0 =	sne.s32 s1, $0x0;
	_ =	strace $0x90000047  }
0x1b0: {  	s0 =	sadd.s32 @!p0 $0x100000, s0;
	[bflag:$0x2] =	sbarrier.arrive $0xFFFF  }
0x1b1: {  	[sflag:s0] =	ssyncadd.tile.s32 @!p0 $0x1;
	_ =	shalt  }
.Lfunc_end2:
_tile_overlayer_lowered:
.L_overlay_start_2:
0x1b2: {  	(tag) =	ssettag $0x2  }
0x1b3: {  	s0 =	rddreg [dreg:$0x0];
	s2 =	stileid.u32  }
0x1b4: {  	s1 =	rddreg [dreg:$0x1];
	p0 =	sne.s32 s2, $0x0  }
0x1b5: {  	s3 =	rddreg [dreg:$0x2];
	[bflag:$0x3] =	sbarrier.arrive $0xFFFF;
	s2 =	simm.s32 @!p0 $0x1C01  }
0x1b6: {  	[timem:s3], [sflag:s2] =	dma.local @!p0 [hbm:s0], s1  }
0x1b7: {  	s0 =	simm.s32 @!p0 $0x1  }
0x1b8: {  	_ =	swait.ge @!p0 [sflag:s0], s1  }
0x1b9: {  	s1 =	ssub.s32 @!p0 $0x0, s1;
	[sflag:s0] =	ssyncset.done @!p0 $0x0  }
0x1ba: {  	[sflag:s0] =	ssyncadd.s32 @!p0 s1  }
0x1bb: {  	[bflag:$0x3] =	sbarrier.arrive $0xFFFF  }
0x1bc: {  	_ =	shalt  }

</sc_bundles>
